<compile_context>
chip_gen: v7x
topology: tpu7x:2x2x1
jax: 0.10.2.dev20260603
libtpu: 0.0.44.dev20260713+nightly
codegen_flags: <defaults>
</compile_context>

<pallas_src>
import functools

import jax
import jax.numpy as jnp
from jax import lax
from jax.experimental import pallas as pl
from jax.experimental.pallas import tpu as pltpu
from jax.experimental.pallas import tpu_sc as plsc

N = 10000
E = 320000
D_IN = 128
D_HID = 256
D_OUT = 128

NC = 2
NS = 16
CHUNK = 128
NP = 10240
ROWS_PER_TILE = NP // NS
ZR = 128
N_COPIES = ROWS_PER_TILE // ZR
CHUNKS_PER_CORE = E // (NC * CHUNK)
ITERS = (CHUNKS_PER_CORE + NS - 1) // NS


def _make_segsum(D):
    mesh = plsc.VectorSubcoreMesh(core_axis_name="c", subcore_axis_name="s")

    @functools.partial(
        pl.kernel,
        mesh=mesh,
        compiler_params=pltpu.CompilerParams(use_tc_tiling_on_sc=False),
        out_type=jax.ShapeDtypeStruct((NC * NP, D), jnp.float32),
        scratch_types=[
            pltpu.VMEM_SHARED((NP, D), jnp.float32),
            pltpu.VMEM((CHUNK,), jnp.int32),
            pltpu.VMEM((CHUNK,), jnp.int32),
            pltpu.VMEM((CHUNK,), jnp.int32),
            pltpu.VMEM((CHUNK,), jnp.int32),
            pltpu.VMEM((CHUNK, D), jnp.float32),
            pltpu.VMEM((ZR, D), jnp.float32),
            pltpu.SemaphoreType.DMA,
            pltpu.SemaphoreType.DMA,
            pltpu.SemaphoreType.DMA,
            pltpu.SemaphoreType.DMA,
        ],
    )
    def segsum(table, src, dst, out, acc, sidx0, didx0, sidx1, didx1,
               rows, zbuf, sem0, sem1, semi0, semi1):
        c = lax.axis_index("c")
        s = lax.axis_index("s")

        def zero_row(i, carry):
            for j in range(D // 16):
                zbuf[i, pl.ds(j * 16, 16)] = jnp.zeros((16,), jnp.float32)
            return carry

        lax.fori_loop(0, ZR, zero_row, 0)
        row0 = s * ROWS_PER_TILE
        for k in range(N_COPIES):
            pltpu.sync_copy(zbuf, acc.at[pl.ds(row0 + k * ZR, ZR)])
        plsc.subcore_barrier()

        def idx_start(cid, sidx_b, didx_b, semi_b):
            e0 = c * (E // NC) + cid * CHUNK
            pltpu.async_copy(src.at[pl.ds(e0, CHUNK)], sidx_b, semi_b)
            pltpu.async_copy(dst.at[pl.ds(e0, CHUNK)], didx_b, semi_b)

        def idx_wait(cid, sidx_b, didx_b, semi_b):
            e0 = c * (E // NC) + cid * CHUNK
            pltpu.make_async_copy(src.at[pl.ds(e0, CHUNK)], sidx_b,
                                  semi_b).wait()
            pltpu.make_async_copy(dst.at[pl.ds(e0, CHUNK)], didx_b,
                                  semi_b).wait()

        idx_start(s, sidx0, didx0, semi0)
        idx_wait(s, sidx0, didx0, semi0)
        pltpu.async_copy(table.at[sidx0], rows, sem0)
        idx_start(s + NS, sidx1, didx1, semi1)

        def body(jj, carry):
            cid0 = s + (2 * jj) * NS
            cid1 = s + (2 * jj + 1) * NS
            cid2 = s + (2 * jj + 2) * NS
            cid3 = s + (2 * jj + 3) * NS

            @pl.when(cid0 < CHUNKS_PER_CORE)
            def _():
                pltpu.make_async_copy(table.at[sidx0], rows, sem0).wait()

            @pl.when(cid1 < CHUNKS_PER_CORE)
            def _():
                idx_wait(cid1, sidx1, didx1, semi1)
                pltpu.async_copy(table.at[sidx1], zbuf, sem1)

            @pl.when(cid0 < CHUNKS_PER_CORE)
            def _():
                pltpu.sync_copy(rows, acc.at[didx0], add=True)

            @pl.when(cid2 < CHUNKS_PER_CORE)
            def _():
                idx_start(cid2, sidx0, didx0, semi0)

            @pl.when(cid1 < CHUNKS_PER_CORE)
            def _():
                pltpu.make_async_copy(table.at[sidx1], zbuf, sem1).wait()

            @pl.when(cid2 < CHUNKS_PER_CORE)
            def _():
                idx_wait(cid2, sidx0, didx0, semi0)
                pltpu.async_copy(table.at[sidx0], rows, sem0)

            @pl.when(cid1 < CHUNKS_PER_CORE)
            def _():
                pltpu.sync_copy(zbuf, acc.at[didx1], add=True)

            @pl.when(cid3 < CHUNKS_PER_CORE)
            def _():
                idx_start(cid3, sidx1, didx1, semi1)

            return carry

        lax.fori_loop(0, (ITERS + 1) // 2, body, 0)
        plsc.subcore_barrier()

        for k in range(N_COPIES):
            r = row0 + k * ZR
            pltpu.sync_copy(acc.at[pl.ds(r, ZR)], zbuf)
            pltpu.sync_copy(zbuf, out.at[pl.ds(c * NP + r, ZR)])

    return segsum


_segsum144 = _make_segsum(D_IN + 16)
_segsum128 = _make_segsum(D_OUT)

_R = 1000


def _pre_body(x_ref, ws0_ref, b0_ref, hs_ref):
    hs_ref[...] = x_ref[...] @ ws0_ref[...] + b0_ref[...]


def _pre(x, Ws0, b0):
    return pl.pallas_call(
        _pre_body,
        grid=(N // _R,),
        in_specs=[
            pl.BlockSpec((_R, D_IN), lambda i: (i, 0)),
            pl.BlockSpec((D_IN, D_HID), lambda i: (0, 0)),
            pl.BlockSpec((1, D_HID), lambda i: (0, 0)),
        ],
        out_specs=pl.BlockSpec((_R, D_HID), lambda i: (i, 0)),
        out_shape=jax.ShapeDtypeStruct((N, D_HID), jnp.float32),
    )(x, Ws0, b0)


def _dense0_body(hs_ref, a0_ref, a1_ref, wn0_ref, wn1_ref, ws1_ref, b1_ref,
                 p_ref, q_ref):
    a0 = a0_ref[0]
    a1 = a1_ref[0]
    agg = a0[:, :D_IN] + a1[:, :D_IN]
    deg = a0[:, D_IN:D_IN + 16] + a1[:, D_IN:D_IN + 16]
    invd = 1.0 / jnp.clip(deg[:, :1], 1.0, None)
    nb = agg * invd
    h = jnp.maximum(hs_ref[...] + nb @ wn0_ref[...], 0.0)
    p_ref[...] = h @ wn1_ref[...]
    q_ref[...] = h @ ws1_ref[...] + b1_ref[...]


def _dense0(hs, parts0, Wn0, Wn1, Ws1, b1):
    D0 = D_IN + 16
    return pl.pallas_call(
        _dense0_body,
        grid=(N // _R,),
        in_specs=[
            pl.BlockSpec((_R, D_HID), lambda i: (i, 0)),
            pl.BlockSpec((1, _R, D0), lambda i: (0, i, 0)),
            pl.BlockSpec((1, _R, D0), lambda i: (1, i, 0)),
            pl.BlockSpec((D_IN, D_HID), lambda i: (0, 0)),
            pl.BlockSpec((D_HID, D_OUT), lambda i: (0, 0)),
            pl.BlockSpec((D_HID, D_OUT), lambda i: (0, 0)),
            pl.BlockSpec((1, D_OUT), lambda i: (0, 0)),
        ],
        out_specs=[
            pl.BlockSpec((_R, D_OUT), lambda i: (i, 0)),
            pl.BlockSpec((_R, D_OUT), lambda i: (i, 0)),
        ],
        out_shape=[
            jax.ShapeDtypeStruct((N, D_OUT), jnp.float32),
            jax.ShapeDtypeStruct((N, D_OUT), jnp.float32),
        ],
    )(hs, parts0, parts0, Wn0, Wn1, Ws1, b1)


def _dense1_body(q_ref, a0_ref, a1_ref, d0_ref, d1_ref, o_ref):
    deg = d0_ref[0, :, D_IN:D_IN + 1] + d1_ref[0, :, D_IN:D_IN + 1]
    invd = 1.0 / jnp.clip(deg, 1.0, None)
    o_ref[...] = q_ref[...] + (a0_ref[0] + a1_ref[0]) * invd


def _dense1(q, parts1, parts0):
    D0 = D_IN + 16
    return pl.pallas_call(
        _dense1_body,
        grid=(N // _R,),
        in_specs=[
            pl.BlockSpec((_R, D_OUT), lambda i: (i, 0)),
            pl.BlockSpec((1, _R, D_OUT), lambda i: (0, i, 0)),
            pl.BlockSpec((1, _R, D_OUT), lambda i: (1, i, 0)),
            pl.BlockSpec((1, _R, D0), lambda i: (0, i, 0)),
            pl.BlockSpec((1, _R, D0), lambda i: (1, i, 0)),
        ],
        out_specs=pl.BlockSpec((_R, D_OUT), lambda i: (i, 0)),
        out_shape=jax.ShapeDtypeStruct((N, D_OUT), jnp.float32),
    )(q, parts1, parts1, parts0, parts0)


def kernel(x, edge_index, W_self0, W_neigh0, b0, W_self1, W_neigh1, b1):
    src = edge_index[0]
    dst = edge_index[1]
    x_ext = jnp.concatenate(
        [x, jnp.ones((N, 16), jnp.float32)], axis=1)
    parts0 = _segsum144(x_ext, src, dst).reshape(NC, NP, D_IN + 16)
    hs = _pre(x, W_self0, b0.reshape(1, -1))
    p, q = _dense0(hs, parts0, W_neigh0, W_neigh1, W_self1,
                   b1.reshape(1, -1))
    parts1 = _segsum128(p, src, dst).reshape(NC, NP, D_OUT)
    out = _dense1(q, parts1, parts0)
    return out

# --- scband reference (transcript-rebuilt; emitter-appended) ---
"""Pipeline reference for scband-sage-25494925869609 (READ-ONLY COPY).

The authoritative reference and input builder live on the scoring server;
editing this copy changes nothing except your own understanding.
"""

import jax, jax.numpy as jnp
import numpy as np

N = 10000
E = 320000
D_IN = 128
D_HID = 256
D_OUT = 128


def setup_inputs(seed: int = 0) -> dict:
    key = jax.random.key(seed)
    ks = jax.random.split(key, 8)
    x = jax.random.normal(ks[0], (N, D_IN), dtype=jnp.float32)
    edge_index = jax.random.randint(ks[1], (2, E), 0, N, dtype=jnp.int32)
    W_self0 = jax.random.normal(ks[2], (D_IN, D_HID), dtype=jnp.float32) / np.sqrt(D_IN)
    W_neigh0 = jax.random.normal(ks[3], (D_IN, D_HID), dtype=jnp.float32) / np.sqrt(D_IN)
    b0 = jnp.zeros((D_HID,), dtype=jnp.float32)
    W_self1 = jax.random.normal(ks[4], (D_HID, D_OUT), dtype=jnp.float32) / np.sqrt(D_HID)
    W_neigh1 = jax.random.normal(ks[5], (D_HID, D_OUT), dtype=jnp.float32) / np.sqrt(D_HID)
    b1 = jnp.zeros((D_OUT,), dtype=jnp.float32)
    return {
        "x": x,
        "edge_index": edge_index,
        "W_self0": W_self0,
        "W_neigh0": W_neigh0,
        "b0": b0,
        "W_self1": W_self1,
        "W_neigh1": W_neigh1,
        "b1": b1,
    }


def _sage_conv(h, src, dst, W_self, W_neigh, b):
    # DGL SAGEConv with aggregator_type='mean':
    #   h_neigh[v] = mean_{u in N(v)} h[u]
    #   rst = fc_self(h_self) + fc_neigh(h_neigh) + bias
    msg = jnp.take(h, src, axis=0)                      # gather over src nodes
    agg = jax.ops.segment_sum(msg, dst, num_segments=N)  # scatter-add by dst
    deg = jax.ops.segment_sum(jnp.ones((src.shape[0],), dtype=h.dtype), dst, num_segments=N)
    h_neigh = agg / jnp.clip(deg, 1.0, None)[:, None]
    return h @ W_self + h_neigh @ W_neigh + b


def reference(x, edge_index, W_self0, W_neigh0, b0, W_self1, W_neigh1, b1):
    src = edge_index[0]
    dst = edge_index[1]
    h = _sage_conv(x, src, dst, W_self0, W_neigh0, b0)
    h = jax.nn.relu(h)  # dropout is identity in eval mode
    h = _sage_conv(h, src, dst, W_self1, W_neigh1, b1)
    return h

if __name__ == "__main__":
    import jax
    _d = setup_inputs()
    print(jax.jit(kernel)(*tuple(_d.values())))

</pallas_src>

<mosaic_0001>
#map = affine_map<(d0, d1) -> (0, 0)>
#map1 = affine_map<(d0, d1) -> (0)>
module attributes {stable_mosaic.version = 14 : i64} {
  func.func @segsum(%arg0: i32, %arg1: i32, %arg2: memref<10000x128xf32, #tpu.memory_space<hbm>>, %arg3: memref<320000xi32, #tpu.memory_space<hbm>>, %arg4: memref<320000xi32, #tpu.memory_space<hbm>>, %arg5: memref<20480x128xf32, #tpu.memory_space<hbm>>, %arg6: memref<10240x128xf32, #tpu.memory_space<vmem_shared>>, %arg7: memref<128xi32, #tpu.memory_space<vmem>>, %arg8: memref<128xi32, #tpu.memory_space<vmem>>, %arg9: memref<128xi32, #tpu.memory_space<vmem>>, %arg10: memref<128xi32, #tpu.memory_space<vmem>>, %arg11: memref<128x128xf32, #tpu.memory_space<vmem>>, %arg12: memref<128x128xf32, #tpu.memory_space<vmem>>, %arg13: memref<!tpu.dma_semaphore, #tpu.memory_space<semaphore_mem>>, %arg14: memref<!tpu.dma_semaphore, #tpu.memory_space<semaphore_mem>>, %arg15: memref<!tpu.dma_semaphore, #tpu.memory_space<semaphore_mem>>, %arg16: memref<!tpu.dma_semaphore, #tpu.memory_space<semaphore_mem>>) attributes {dimension_semantics = [#tpu.dimension_semantics<core_parallel>, #tpu.dimension_semantics<subcore_parallel>], iteration_bounds = array<i64: 2, 16>, scalar_prefetch = 0 : i64, scratch_operands = 11 : i64, tpu.core_type = #tpu.core_type<sc_vector_subcore>, window_params = [{transform_indices = #map}, {transform_indices = #map1}, {transform_indices = #map1}, {transform_indices = #map}]} {
    %scan3A = arith.constant 0 : i32
    %scan3A_0 = arith.constant 0 : i32
    %scan3A_1 = arith.constant 128 : i32
    %scan3A_2 = arith.addi %scan3A_0, %scan3A_1 : i32
    %scan3A_3 = arith.constant 1 : i32
    scf.for %scan3A_77 = %scan3A_0 to %scan3A_2 step %scan3A_3  : i32 {
      %broadcast_in_dim3A = arith.constant 0.000000e+00 : f32
      %broadcast_in_dim3A_78 = vector.broadcast %broadcast_in_dim3A : f32 to vector<16xf32>
      %swap3A = arith.index_cast %scan3A_77 : i32 to index
      %swap3A_79 = arith.constant 0 : index
      %swap3A_80 = tpu.vector_load %arg12[%swap3A, %swap3A_79] {strides = array<i32>} : memref<128x128xf32, #tpu.memory_space<vmem>>, vector<1x16xf32>,
      %swap3A_81 = vector.shape_cast %swap3A_80 : vector<1x16xf32> to vector<16xf32>
      %swap3A_82 = vector.shape_cast %broadcast_in_dim3A_78 : vector<16xf32> to vector<1x16xf32>
      tpu.vector_store %arg12[%swap3A, %swap3A_79], %swap3A_82 {strides = array<i32>} : memref<128x128xf32, #tpu.memory_space<vmem>>, vector<1x16xf32>,
      %broadcast_in_dim3A_83 = arith.constant 0.000000e+00 : f32
      %broadcast_in_dim3A_84 = vector.broadcast %broadcast_in_dim3A_83 : f32 to vector<16xf32>
      %swap3A_85 = arith.index_cast %scan3A_77 : i32 to index
      %swap3A_86 = arith.constant 16 : index
      %swap3A_87 = tpu.vector_load %arg12[%swap3A_85, %swap3A_86] {strides = array<i32>} : memref<128x128xf32, #tpu.memory_space<vmem>>, vector<1x16xf32>,
      %swap3A_88 = vector.shape_cast %swap3A_87 : vector<1x16xf32> to vector<16xf32>
      %swap3A_89 = vector.shape_cast %broadcast_in_dim3A_84 : vector<16xf32> to vector<1x16xf32>
      tpu.vector_store %arg12[%swap3A_85, %swap3A_86], %swap3A_89 {strides = array<i32>} : memref<128x128xf32, #tpu.memory_space<vmem>>, vector<1x16xf32>,
      %broadcast_in_dim3A_90 = arith.constant 0.000000e+00 : f32
      %broadcast_in_dim3A_91 = vector.broadcast %broadcast_in_dim3A_90 : f32 to vector<16xf32>
      %swap3A_92 = arith.index_cast %scan3A_77 : i32 to index
      %swap3A_93 = arith.constant 32 : index
      %swap3A_94 = tpu.vector_load %arg12[%swap3A_92, %swap3A_93] {strides = array<i32>} : memref<128x128xf32, #tpu.memory_space<vmem>>, vector<1x16xf32>,
      %swap3A_95 = vector.shape_cast %swap3A_94 : vector<1x16xf32> to vector<16xf32>
      %swap3A_96 = vector.shape_cast %broadcast_in_dim3A_91 : vector<16xf32> to vector<1x16xf32>
      tpu.vector_store %arg12[%swap3A_92, %swap3A_93], %swap3A_96 {strides = array<i32>} : memref<128x128xf32, #tpu.memory_space<vmem>>, vector<1x16xf32>,
      %broadcast_in_dim3A_97 = arith.constant 0.000000e+00 : f32
      %broadcast_in_dim3A_98 = vector.broadcast %broadcast_in_dim3A_97 : f32 to vector<16xf32>
      %swap3A_99 = arith.index_cast %scan3A_77 : i32 to index
      %swap3A_100 = arith.constant 48 : index
      %swap3A_101 = tpu.vector_load %arg12[%swap3A_99, %swap3A_100] {strides = array<i32>} : memref<128x128xf32, #tpu.memory_space<vmem>>, vector<1x16xf32>,
      %swap3A_102 = vector.shape_cast %swap3A_101 : vector<1x16xf32> to vector<16xf32>
      %swap3A_103 = vector.shape_cast %broadcast_in_dim3A_98 : vector<16xf32> to vector<1x16xf32>
      tpu.vector_store %arg12[%swap3A_99, %swap3A_100], %swap3A_103 {strides = array<i32>} : memref<128x128xf32, #tpu.memory_space<vmem>>, vector<1x16xf32>,
      %broadcast_in_dim3A_104 = arith.constant 0.000000e+00 : f32
      %broadcast_in_dim3A_105 = vector.broadcast %broadcast_in_dim3A_104 : f32 to vector<16xf32>
      %swap3A_106 = arith.index_cast %scan3A_77 : i32 to index
      %swap3A_107 = arith.constant 64 : index
      %swap3A_108 = tpu.vector_load %arg12[%swap3A_106, %swap3A_107] {strides = array<i32>} : memref<128x128xf32, #tpu.memory_space<vmem>>, vector<1x16xf32>,
      %swap3A_109 = vector.shape_cast %swap3A_108 : vector<1x16xf32> to vector<16xf32>
      %swap3A_110 = vector.shape_cast %broadcast_in_dim3A_105 : vector<16xf32> to vector<1x16xf32>
      tpu.vector_store %arg12[%swap3A_106, %swap3A_107], %swap3A_110 {strides = array<i32>} : memref<128x128xf32, #tpu.memory_space<vmem>>, vector<1x16xf32>,
      %broadcast_in_dim3A_111 = arith.constant 0.000000e+00 : f32
      %broadcast_in_dim3A_112 = vector.broadcast %broadcast_in_dim3A_111 : f32 to vector<16xf32>
      %swap3A_113 = arith.index_cast %scan3A_77 : i32 to index
      %swap3A_114 = arith.constant 80 : index
      %swap3A_115 = tpu.vector_load %arg12[%swap3A_113, %swap3A_114] {strides = array<i32>} : memref<128x128xf32, #tpu.memory_space<vmem>>, vector<1x16xf32>,
      %swap3A_116 = vector.shape_cast %swap3A_115 : vector<1x16xf32> to vector<16xf32>
      %swap3A_117 = vector.shape_cast %broadcast_in_dim3A_112 : vector<16xf32> to vector<1x16xf32>
      tpu.vector_store %arg12[%swap3A_113, %swap3A_114], %swap3A_117 {strides = array<i32>} : memref<128x128xf32, #tpu.memory_space<vmem>>, vector<1x16xf32>,
      %broadcast_in_dim3A_118 = arith.constant 0.000000e+00 : f32
      %broadcast_in_dim3A_119 = vector.broadcast %broadcast_in_dim3A_118 : f32 to vector<16xf32>
      %swap3A_120 = arith.index_cast %scan3A_77 : i32 to index
      %swap3A_121 = arith.constant 96 : index
      %swap3A_122 = tpu.vector_load %arg12[%swap3A_120, %swap3A_121] {strides = array<i32>} : memref<128x128xf32, #tpu.memory_space<vmem>>, vector<1x16xf32>,
      %swap3A_123 = vector.shape_cast %swap3A_122 : vector<1x16xf32> to vector<16xf32>
      %swap3A_124 = vector.shape_cast %broadcast_in_dim3A_119 : vector<16xf32> to vector<1x16xf32>
      tpu.vector_store %arg12[%swap3A_120, %swap3A_121], %swap3A_124 {strides = array<i32>} : memref<128x128xf32, #tpu.memory_space<vmem>>, vector<1x16xf32>,
      %broadcast_in_dim3A_125 = arith.constant 0.000000e+00 : f32
      %broadcast_in_dim3A_126 = vector.broadcast %broadcast_in_dim3A_125 : f32 to vector<16xf32>
      %swap3A_127 = arith.index_cast %scan3A_77 : i32 to index
      %swap3A_128 = arith.constant 112 : index
      %swap3A_129 = tpu.vector_load %arg12[%swap3A_127, %swap3A_128] {strides = array<i32>} : memref<128x128xf32, #tpu.memory_space<vmem>>, vector<1x16xf32>,
      %swap3A_130 = vector.shape_cast %swap3A_129 : vector<1x16xf32> to vector<16xf32>
      %swap3A_131 = vector.shape_cast %broadcast_in_dim3A_126 : vector<16xf32> to vector<1x16xf32>
      tpu.vector_store %arg12[%swap3A_127, %swap3A_128], %swap3A_131 {strides = array<i32>} : memref<128x128xf32, #tpu.memory_space<vmem>>, vector<1x16xf32>,
    }
    %scan3A_4 = arith.constant 128 : i32
    %mul3A = arith.constant 640 : i32
    %mul3A_5 = arith.muli %arg1, %mul3A : i32
    %add3A = arith.constant 0 : i32
    %add3A_6 = arith.addi %mul3A_5, %add3A : i32
    "tpu.region"() ({
      %run_scoped3A = tpu.sem_alloc : memref<!tpu.dma_semaphore, #tpu.memory_space<semaphore_mem>>
      %dma_start3A_77 = arith.constant 0 : i32
      %dma_start3A_78 = tpu.memref_slice %arg6[%add3A_6, %dma_start3A_77] : memref<10240x128xf32, #tpu.memory_space<vmem_shared>> -> memref<128x128xf32, #tpu.memory_space<vmem_shared>>
      %dma_start3A_79 = arith.constant 0 : i32
      %dma_start3A_80 = tpu.memref_slice %arg6[%add3A_6, %dma_start3A_79] : memref<10240x128xf32, #tpu.memory_space<vmem_shared>> -> memref<128x128xf32, #tpu.memory_space<vmem_shared>>
      tpu.enqueue_dma source(%arg12 : memref<128x128xf32, #tpu.memory_space<vmem>>) target(%dma_start3A_80 : memref<128x128xf32, #tpu.memory_space<vmem_shared>>) target_semaphore(%run_scoped3A : memref<!tpu.dma_semaphore, #tpu.memory_space<semaphore_mem>>)
      %dma_wait3A_81 = arith.constant 0 : i32
      %dma_wait3A_82 = tpu.memref_slice %arg6[%add3A_6, %dma_wait3A_81] : memref<10240x128xf32, #tpu.memory_space<vmem_shared>> -> memref<128x128xf32, #tpu.memory_space<vmem_shared>>
      %dma_wait3A_83 = arith.constant 0 : i32
      %dma_wait3A_84 = tpu.memref_slice %arg6[%add3A_6, %dma_wait3A_83] : memref<10240x128xf32, #tpu.memory_space<vmem_shared>> -> memref<128x128xf32, #tpu.memory_space<vmem_shared>>
      tpu.wait_dma2 semaphore(%run_scoped3A : memref<!tpu.dma_semaphore, #tpu.memory_space<semaphore_mem>>) src(%arg12 : memref<128x128xf32, #tpu.memory_space<vmem>>) dst(%dma_wait3A_84 : memref<128x128xf32, #tpu.memory_space<vmem_shared>>)
      tpu.yield
    }) : () -> ()
    %add3A_7 = arith.constant 128 : i32
    %add3A_8 = arith.addi %mul3A_5, %add3A_7 : i32
    "tpu.region"() ({
      %run_scoped3A = tpu.sem_alloc : memref<!tpu.dma_semaphore, #tpu.memory_space<semaphore_mem>>
      %dma_start3A_77 = arith.constant 0 : i32
      %dma_start3A_78 = tpu.memref_slice %arg6[%add3A_8, %dma_start3A_77] : memref<10240x128xf32, #tpu.memory_space<vmem_shared>> -> memref<128x128xf32, #tpu.memory_space<vmem_shared>>
      %dma_start3A_79 = arith.constant 0 : i32
      %dma_start3A_80 = tpu.memref_slice %arg6[%add3A_8, %dma_start3A_79] : memref<10240x128xf32, #tpu.memory_space<vmem_shared>> -> memref<128x128xf32, #tpu.memory_space<vmem_shared>>
      tpu.enqueue_dma source(%arg12 : memref<128x128xf32, #tpu.memory_space<vmem>>) target(%dma_start3A_80 : memref<128x128xf32, #tpu.memory_space<vmem_shared>>) target_semaphore(%run_scoped3A : memref<!tpu.dma_semaphore, #tpu.memory_space<semaphore_mem>>)
      %dma_wait3A_81 = arith.constant 0 : i32
      %dma_wait3A_82 = tpu.memref_slice %arg6[%add3A_8, %dma_wait3A_81] : memref<10240x128xf32, #tpu.memory_space<vmem_shared>> -> memref<128x128xf32, #tpu.memory_space<vmem_shared>>
      %dma_wait3A_83 = arith.constant 0 : i32
      %dma_wait3A_84 = tpu.memref_slice %arg6[%add3A_8, %dma_wait3A_83] : memref<10240x128xf32, #tpu.memory_space<vmem_shared>> -> memref<128x128xf32, #tpu.memory_space<vmem_shared>>
      tpu.wait_dma2 semaphore(%run_scoped3A : memref<!tpu.dma_semaphore, #tpu.memory_space<semaphore_mem>>) src(%arg12 : memref<128x128xf32, #tpu.memory_space<vmem>>) dst(%dma_wait3A_84 : memref<128x128xf32, #tpu.memory_space<vmem_shared>>)
      tpu.yield
    }) : () -> ()
    %add3A_9 = arith.constant 256 : i32
    %add3A_10 = arith.addi %mul3A_5, %add3A_9 : i32
    "tpu.region"() ({
      %run_scoped3A = tpu.sem_alloc : memref<!tpu.dma_semaphore, #tpu.memory_space<semaphore_mem>>
      %dma_start3A_77 = arith.constant 0 : i32
      %dma_start3A_78 = tpu.memref_slice %arg6[%add3A_10, %dma_start3A_77] : memref<10240x128xf32, #tpu.memory_space<vmem_shared>> -> memref<128x128xf32, #tpu.memory_space<vmem_shared>>
      %dma_start3A_79 = arith.constant 0 : i32
      %dma_start3A_80 = tpu.memref_slice %arg6[%add3A_10, %dma_start3A_79] : memref<10240x128xf32, #tpu.memory_space<vmem_shared>> -> memref<128x128xf32, #tpu.memory_space<vmem_shared>>
      tpu.enqueue_dma source(%arg12 : memref<128x128xf32, #tpu.memory_space<vmem>>) target(%dma_start3A_80 : memref<128x128xf32, #tpu.memory_space<vmem_shared>>) target_semaphore(%run_scoped3A : memref<!tpu.dma_semaphore, #tpu.memory_space<semaphore_mem>>)
      %dma_wait3A_81 = arith.constant 0 : i32
      %dma_wait3A_82 = tpu.memref_slice %arg6[%add3A_10, %dma_wait3A_81] : memref<10240x128xf32, #tpu.memory_space<vmem_shared>> -> memref<128x128xf32, #tpu.memory_space<vmem_shared>>
      %dma_wait3A_83 = arith.constant 0 : i32
      %dma_wait3A_84 = tpu.memref_slice %arg6[%add3A_10, %dma_wait3A_83] : memref<10240x128xf32, #tpu.memory_space<vmem_shared>> -> memref<128x128xf32, #tpu.memory_space<vmem_shared>>
      tpu.wait_dma2 semaphore(%run_scoped3A : memref<!tpu.dma_semaphore, #tpu.memory_space<semaphore_mem>>) src(%arg12 : memref<128x128xf32, #tpu.memory_space<vmem>>) dst(%dma_wait3A_84 : memref<128x128xf32, #tpu.memory_space<vmem_shared>>)
      tpu.yield
    }) : () -> ()
    %add3A_11 = arith.constant 384 : i32
    %add3A_12 = arith.addi %mul3A_5, %add3A_11 : i32
    "tpu.region"() ({
      %run_scoped3A = tpu.sem_alloc : memref<!tpu.dma_semaphore, #tpu.memory_space<semaphore_mem>>
      %dma_start3A_77 = arith.constant 0 : i32
      %dma_start3A_78 = tpu.memref_slice %arg6[%add3A_12, %dma_start3A_77] : memref<10240x128xf32, #tpu.memory_space<vmem_shared>> -> memref<128x128xf32, #tpu.memory_space<vmem_shared>>
      %dma_start3A_79 = arith.constant 0 : i32
      %dma_start3A_80 = tpu.memref_slice %arg6[%add3A_12, %dma_start3A_79] : memref<10240x128xf32, #tpu.memory_space<vmem_shared>> -> memref<128x128xf32, #tpu.memory_space<vmem_shared>>
      tpu.enqueue_dma source(%arg12 : memref<128x128xf32, #tpu.memory_space<vmem>>) target(%dma_start3A_80 : memref<128x128xf32, #tpu.memory_space<vmem_shared>>) target_semaphore(%run_scoped3A : memref<!tpu.dma_semaphore, #tpu.memory_space<semaphore_mem>>)
      %dma_wait3A_81 = arith.constant 0 : i32
      %dma_wait3A_82 = tpu.memref_slice %arg6[%add3A_12, %dma_wait3A_81] : memref<10240x128xf32, #tpu.memory_space<vmem_shared>> -> memref<128x128xf32, #tpu.memory_space<vmem_shared>>
      %dma_wait3A_83 = arith.constant 0 : i32
      %dma_wait3A_84 = tpu.memref_slice %arg6[%add3A_12, %dma_wait3A_83] : memref<10240x128xf32, #tpu.memory_space<vmem_shared>> -> memref<128x128xf32, #tpu.memory_space<vmem_shared>>
      tpu.wait_dma2 semaphore(%run_scoped3A : memref<!tpu.dma_semaphore, #tpu.memory_space<semaphore_mem>>) src(%arg12 : memref<128x128xf32, #tpu.memory_space<vmem>>) dst(%dma_wait3A_84 : memref<128x128xf32, #tpu.memory_space<vmem_shared>>)
      tpu.yield
    }) : () -> ()
    %add3A_13 = arith.constant 512 : i32
    %add3A_14 = arith.addi %mul3A_5, %add3A_13 : i32
    "tpu.region"() ({
      %run_scoped3A = tpu.sem_alloc : memref<!tpu.dma_semaphore, #tpu.memory_space<semaphore_mem>>
      %dma_start3A_77 = arith.constant 0 : i32
      %dma_start3A_78 = tpu.memref_slice %arg6[%add3A_14, %dma_start3A_77] : memref<10240x128xf32, #tpu.memory_space<vmem_shared>> -> memref<128x128xf32, #tpu.memory_space<vmem_shared>>
      %dma_start3A_79 = arith.constant 0 : i32
      %dma_start3A_80 = tpu.memref_slice %arg6[%add3A_14, %dma_start3A_79] : memref<10240x128xf32, #tpu.memory_space<vmem_shared>> -> memref<128x128xf32, #tpu.memory_space<vmem_shared>>
      tpu.enqueue_dma source(%arg12 : memref<128x128xf32, #tpu.memory_space<vmem>>) target(%dma_start3A_80 : memref<128x128xf32, #tpu.memory_space<vmem_shared>>) target_semaphore(%run_scoped3A : memref<!tpu.dma_semaphore, #tpu.memory_space<semaphore_mem>>)
      %dma_wait3A_81 = arith.constant 0 : i32
      %dma_wait3A_82 = tpu.memref_slice %arg6[%add3A_14, %dma_wait3A_81] : memref<10240x128xf32, #tpu.memory_space<vmem_shared>> -> memref<128x128xf32, #tpu.memory_space<vmem_shared>>
      %dma_wait3A_83 = arith.constant 0 : i32
      %dma_wait3A_84 = tpu.memref_slice %arg6[%add3A_14, %dma_wait3A_83] : memref<10240x128xf32, #tpu.memory_space<vmem_shared>> -> memref<128x128xf32, #tpu.memory_space<vmem_shared>>
      tpu.wait_dma2 semaphore(%run_scoped3A : memref<!tpu.dma_semaphore, #tpu.memory_space<semaphore_mem>>) src(%arg12 : memref<128x128xf32, #tpu.memory_space<vmem>>) dst(%dma_wait3A_84 : memref<128x128xf32, #tpu.memory_space<vmem_shared>>)
      tpu.yield
    }) : () -> ()
    %barrier3A = arith.constant 0 : index
    tpu.barrier barrier_id(%barrier3A)
    %mul3A_15 = arith.constant 160000 : i32
    %mul3A_16 = arith.muli %arg0, %mul3A_15 : i32
    %mul3A_17 = arith.constant 128 : i32
    %mul3A_18 = arith.muli %arg1, %mul3A_17 : i32
    %add3A_19 = arith.addi %mul3A_16, %mul3A_18 : i32
    %dma_start3A = tpu.memref_slice %arg3[%add3A_19] : memref<320000xi32, #tpu.memory_space<hbm>> -> memref<128xi32, #tpu.memory_space<hbm>>
    %dma_start3A_20 = tpu.memref_slice %arg3[%add3A_19] : memref<320000xi32, #tpu.memory_space<hbm>> -> memref<128xi32, #tpu.memory_space<hbm>>
    tpu.enqueue_dma source(%dma_start3A_20 : memref<128xi32, #tpu.memory_space<hbm>>) target(%arg7 : memref<128xi32, #tpu.memory_space<vmem>>) target_semaphore(%arg15 : memref<!tpu.dma_semaphore, #tpu.memory_space<semaphore_mem>>)
    %dma_start3A_21 = tpu.memref_slice %arg4[%add3A_19] : memref<320000xi32, #tpu.memory_space<hbm>> -> memref<128xi32, #tpu.memory_space<hbm>>
    %dma_start3A_22 = tpu.memref_slice %arg4[%add3A_19] : memref<320000xi32, #tpu.memory_space<hbm>> -> memref<128xi32, #tpu.memory_space<hbm>>
    tpu.enqueue_dma source(%dma_start3A_22 : memref<128xi32, #tpu.memory_space<hbm>>) target(%arg8 : memref<128xi32, #tpu.memory_space<vmem>>) target_semaphore(%arg15 : memref<!tpu.dma_semaphore, #tpu.memory_space<semaphore_mem>>)
    %mul3A_23 = arith.constant 160000 : i32
    %mul3A_24 = arith.muli %arg0, %mul3A_23 : i32
    %mul3A_25 = arith.constant 128 : i32
    %mul3A_26 = arith.muli %arg1, %mul3A_25 : i32
    %add3A_27 = arith.addi %mul3A_24, %mul3A_26 : i32
    %dma_wait3A = tpu.memref_slice %arg3[%add3A_27] : memref<320000xi32, #tpu.memory_space<hbm>> -> memref<128xi32, #tpu.memory_space<hbm>>
    %dma_wait3A_28 = tpu.memref_slice %arg3[%add3A_27] : memref<320000xi32, #tpu.memory_space<hbm>> -> memref<128xi32, #tpu.memory_space<hbm>>
    tpu.wait_dma2 semaphore(%arg15 : memref<!tpu.dma_semaphore, #tpu.memory_space<semaphore_mem>>) src(%dma_wait3A_28 : memref<128xi32, #tpu.memory_space<hbm>>) dst(%arg7 : memref<128xi32, #tpu.memory_space<vmem>>)
    %dma_wait3A_29 = tpu.memref_slice %arg4[%add3A_27] : memref<320000xi32, #tpu.memory_space<hbm>> -> memref<128xi32, #tpu.memory_space<hbm>>
    %dma_wait3A_30 = tpu.memref_slice %arg4[%add3A_27] : memref<320000xi32, #tpu.memory_space<hbm>> -> memref<128xi32, #tpu.memory_space<hbm>>
    tpu.wait_dma2 semaphore(%arg15 : memref<!tpu.dma_semaphore, #tpu.memory_space<semaphore_mem>>) src(%dma_wait3A_30 : memref<128xi32, #tpu.memory_space<hbm>>) dst(%arg8 : memref<128xi32, #tpu.memory_space<vmem>>)
    %dma_start3A_31 = arith.constant 0 : i32
    %dma_start3A_32 = arith.constant 0 : i32
    %dma_start3A_33 = tpu.memref_slice %arg2[%dma_start3A_31, %dma_start3A_32] : memref<10000x128xf32, #tpu.memory_space<hbm>> -> memref<10000x128xf32, #tpu.memory_space<hbm>>
    tpu.enqueue_indirect_dma source(%dma_start3A_33 : memref<10000x128xf32, #tpu.memory_space<hbm>>) target(%arg11 : memref<128x128xf32, #tpu.memory_space<vmem>>) offsets(%arg7 : memref<128xi32, #tpu.memory_space<vmem>>) semaphore(%arg13 : memref<!tpu.dma_semaphore, #tpu.memory_space<semaphore_mem>>)
    %add3A_34 = arith.constant 16 : i32
    %add3A_35 = arith.addi %arg1, %add3A_34 : i32
    %mul3A_36 = arith.constant 160000 : i32
    %mul3A_37 = arith.muli %arg0, %mul3A_36 : i32
    %mul3A_38 = arith.constant 128 : i32
    %mul3A_39 = arith.muli %add3A_35, %mul3A_38 : i32
    %add3A_40 = arith.addi %mul3A_37, %mul3A_39 : i32
    %dma_start3A_41 = tpu.memref_slice %arg3[%add3A_40] : memref<320000xi32, #tpu.memory_space<hbm>> -> memref<128xi32, #tpu.memory_space<hbm>>
    %dma_start3A_42 = tpu.memref_slice %arg3[%add3A_40] : memref<320000xi32, #tpu.memory_space<hbm>> -> memref<128xi32, #tpu.memory_space<hbm>>
    tpu.enqueue_dma source(%dma_start3A_42 : memref<128xi32, #tpu.memory_space<hbm>>) target(%arg9 : memref<128xi32, #tpu.memory_space<vmem>>) target_semaphore(%arg16 : memref<!tpu.dma_semaphore, #tpu.memory_space<semaphore_mem>>)
    %dma_start3A_43 = tpu.memref_slice %arg4[%add3A_40] : memref<320000xi32, #tpu.memory_space<hbm>> -> memref<128xi32, #tpu.memory_space<hbm>>
    %dma_start3A_44 = tpu.memref_slice %arg4[%add3A_40] : memref<320000xi32, #tpu.memory_space<hbm>> -> memref<128xi32, #tpu.memory_space<hbm>>
    tpu.enqueue_dma source(%dma_start3A_44 : memref<128xi32, #tpu.memory_space<hbm>>) target(%arg10 : memref<128xi32, #tpu.memory_space<vmem>>) target_semaphore(%arg16 : memref<!tpu.dma_semaphore, #tpu.memory_space<semaphore_mem>>)
    %scan3A_45 = arith.constant 0 : i32
    %scan3A_46 = arith.constant 0 : i32
    %scan3A_47 = arith.constant 40 : i32
    %scan3A_48 = arith.addi %scan3A_46, %scan3A_47 : i32
    %scan3A_49 = arith.constant 1 : i32
    scf.for %scan3A_77 = %scan3A_46 to %scan3A_48 step %scan3A_49  : i32 {
      %mul3A_78 = arith.constant 2 : i32
      %mul3A_79 = arith.muli %mul3A_78, %scan3A_77 : i32
      %mul3A_80 = arith.constant 16 : i32
      %mul3A_81 = arith.muli %mul3A_79, %mul3A_80 : i32
      %add3A_82 = arith.addi %arg1, %mul3A_81 : i32
      %mul3A_83 = arith.constant 2 : i32
      %mul3A_84 = arith.muli %mul3A_83, %scan3A_77 : i32
      %add3A_85 = arith.constant 1 : i32
      %add3A_86 = arith.addi %mul3A_84, %add3A_85 : i32
      %mul3A_87 = arith.constant 16 : i32
      %mul3A_88 = arith.muli %add3A_86, %mul3A_87 : i32
      %add3A_89 = arith.addi %arg1, %mul3A_88 : i32
      %mul3A_90 = arith.constant 2 : i32
      %mul3A_91 = arith.muli %mul3A_90, %scan3A_77 : i32
      %add3A_92 = arith.constant 2 : i32
      %add3A_93 = arith.addi %mul3A_91, %add3A_92 : i32
      %mul3A_94 = arith.constant 16 : i32
      %mul3A_95 = arith.muli %add3A_93, %mul3A_94 : i32
      %add3A_96 = arith.addi %arg1, %mul3A_95 : i32
      %mul3A_97 = arith.constant 2 : i32
      %mul3A_98 = arith.muli %mul3A_97, %scan3A_77 : i32
      %add3A_99 = arith.constant 3 : i32
      %add3A_100 = arith.addi %mul3A_98, %add3A_99 : i32
      %mul3A_101 = arith.constant 16 : i32
      %mul3A_102 = arith.muli %add3A_100, %mul3A_101 : i32
      %add3A_103 = arith.addi %arg1, %mul3A_102 : i32
      %lt3A = arith.constant 1250 : i32
      %lt3A_104 = arith.cmpi slt, %add3A_82, %lt3A : i32
      %convert_element_type3A = arith.extui %lt3A_104 : i1 to i32
      %cond3A = arith.constant 0 : i32
      %cond3A_105 = arith.cmpi ne, %convert_element_type3A, %cond3A : i32
      scf.if %cond3A_105 {
        %dma_wait3A_141 = arith.constant 0 : i32
        %dma_wait3A_142 = arith.constant 0 : i32
        %dma_wait3A_143 = tpu.memref_slice %arg2[%dma_wait3A_141, %dma_wait3A_142] : memref<10000x128xf32, #tpu.memory_space<hbm>> -> memref<10000x128xf32, #tpu.memory_space<hbm>>
        tpu.wait_indirect_dma semaphore(%arg13 : memref<!tpu.dma_semaphore, #tpu.memory_space<semaphore_mem>>) src(%dma_wait3A_143 : memref<10000x128xf32, #tpu.memory_space<hbm>>) dst(%arg11 : memref<128x128xf32, #tpu.memory_space<vmem>>)
      } else {
      }
      %lt3A_106 = arith.constant 1250 : i32
      %lt3A_107 = arith.cmpi slt, %add3A_89, %lt3A_106 : i32
      %convert_element_type3A_108 = arith.extui %lt3A_107 : i1 to i32
      %cond3A_109 = arith.constant 0 : i32
      %cond3A_110 = arith.cmpi ne, %convert_element_type3A_108, %cond3A_109 : i32
      scf.if %cond3A_110 {
        %mul3A_141 = arith.constant 160000 : i32
        %mul3A_142 = arith.muli %arg0, %mul3A_141 : i32
        %mul3A_143 = arith.constant 128 : i32
        %mul3A_144 = arith.muli %add3A_89, %mul3A_143 : i32
        %add3A_145 = arith.addi %mul3A_142, %mul3A_144 : i32
        %dma_wait3A_146 = tpu.memref_slice %arg3[%add3A_145] : memref<320000xi32, #tpu.memory_space<hbm>> -> memref<128xi32, #tpu.memory_space<hbm>>
        %dma_wait3A_147 = tpu.memref_slice %arg3[%add3A_145] : memref<320000xi32, #tpu.memory_space<hbm>> -> memref<128xi32, #tpu.memory_space<hbm>>
        tpu.wait_dma2 semaphore(%arg16 : memref<!tpu.dma_semaphore, #tpu.memory_space<semaphore_mem>>) src(%dma_wait3A_147 : memref<128xi32, #tpu.memory_space<hbm>>) dst(%arg9 : memref<128xi32, #tpu.memory_space<vmem>>)
        %dma_wait3A_148 = tpu.memref_slice %arg4[%add3A_145] : memref<320000xi32, #tpu.memory_space<hbm>> -> memref<128xi32, #tpu.memory_space<hbm>>
        %dma_wait3A_149 = tpu.memref_slice %arg4[%add3A_145] : memref<320000xi32, #tpu.memory_space<hbm>> -> memref<128xi32, #tpu.memory_space<hbm>>
        tpu.wait_dma2 semaphore(%arg16 : memref<!tpu.dma_semaphore, #tpu.memory_space<semaphore_mem>>) src(%dma_wait3A_149 : memref<128xi32, #tpu.memory_space<hbm>>) dst(%arg10 : memref<128xi32, #tpu.memory_space<vmem>>)
        %dma_start3A_150 = arith.constant 0 : i32
        %dma_start3A_151 = arith.constant 0 : i32
        %dma_start3A_152 = tpu.memref_slice %arg2[%dma_start3A_150, %dma_start3A_151] : memref<10000x128xf32, #tpu.memory_space<hbm>> -> memref<10000x128xf32, #tpu.memory_space<hbm>>
        tpu.enqueue_indirect_dma source(%dma_start3A_152 : memref<10000x128xf32, #tpu.memory_space<hbm>>) target(%arg12 : memref<128x128xf32, #tpu.memory_space<vmem>>) offsets(%arg9 : memref<128xi32, #tpu.memory_space<vmem>>) semaphore(%arg14 : memref<!tpu.dma_semaphore, #tpu.memory_space<semaphore_mem>>)
      } else {
      }
      %lt3A_111 = arith.constant 1250 : i32
      %lt3A_112 = arith.cmpi slt, %add3A_82, %lt3A_111 : i32
      %convert_element_type3A_113 = arith.extui %lt3A_112 : i1 to i32
      %cond3A_114 = arith.constant 0 : i32
      %cond3A_115 = arith.cmpi ne, %convert_element_type3A_113, %cond3A_114 : i32
      scf.if %cond3A_115 {
        "tpu.region"() ({
          %run_scoped3A = tpu.sem_alloc : memref<!tpu.dma_semaphore, #tpu.memory_space<semaphore_mem>>
          %dma_start3A_141 = arith.constant 0 : i32
          %dma_start3A_142 = arith.constant 0 : i32
          %dma_start3A_143 = tpu.memref_slice %arg6[%dma_start3A_141, %dma_start3A_142] : memref<10240x128xf32, #tpu.memory_space<vmem_shared>> -> memref<10240x128xf32, #tpu.memory_space<vmem_shared>>
          tpu.enqueue_indirect_dma source(%arg11 : memref<128x128xf32, #tpu.memory_space<vmem>>) target(%dma_start3A_143 : memref<10240x128xf32, #tpu.memory_space<vmem_shared>>) offsets(%arg8 : memref<128xi32, #tpu.memory_space<vmem>>) semaphore(%run_scoped3A : memref<!tpu.dma_semaphore, #tpu.memory_space<semaphore_mem>>) {add = true}
          %dma_wait3A_144 = arith.constant 0 : i32
          %dma_wait3A_145 = arith.constant 0 : i32
          %dma_wait3A_146 = tpu.memref_slice %arg6[%dma_wait3A_144, %dma_wait3A_145] : memref<10240x128xf32, #tpu.memory_space<vmem_shared>> -> memref<10240x128xf32, #tpu.memory_space<vmem_shared>>
          tpu.wait_indirect_dma semaphore(%run_scoped3A : memref<!tpu.dma_semaphore, #tpu.memory_space<semaphore_mem>>) src(%arg11 : memref<128x128xf32, #tpu.memory_space<vmem>>) dst(%dma_wait3A_146 : memref<10240x128xf32, #tpu.memory_space<vmem_shared>>)
          tpu.yield
        }) : () -> ()
      } else {
      }
      %lt3A_116 = arith.constant 1250 : i32
      %lt3A_117 = arith.cmpi slt, %add3A_96, %lt3A_116 : i32
      %convert_element_type3A_118 = arith.extui %lt3A_117 : i1 to i32
      %cond3A_119 = arith.constant 0 : i32
      %cond3A_120 = arith.cmpi ne, %convert_element_type3A_118, %cond3A_119 : i32
      scf.if %cond3A_120 {
        %mul3A_141 = arith.constant 160000 : i32
        %mul3A_142 = arith.muli %arg0, %mul3A_141 : i32
        %mul3A_143 = arith.constant 128 : i32
        %mul3A_144 = arith.muli %add3A_96, %mul3A_143 : i32
        %add3A_145 = arith.addi %mul3A_142, %mul3A_144 : i32
        %dma_start3A_146 = tpu.memref_slice %arg3[%add3A_145] : memref<320000xi32, #tpu.memory_space<hbm>> -> memref<128xi32, #tpu.memory_space<hbm>>
        %dma_start3A_147 = tpu.memref_slice %arg3[%add3A_145] : memref<320000xi32, #tpu.memory_space<hbm>> -> memref<128xi32, #tpu.memory_space<hbm>>
        tpu.enqueue_dma source(%dma_start3A_147 : memref<128xi32, #tpu.memory_space<hbm>>) target(%arg7 : memref<128xi32, #tpu.memory_space<vmem>>) target_semaphore(%arg15 : memref<!tpu.dma_semaphore, #tpu.memory_space<semaphore_mem>>)
        %dma_start3A_148 = tpu.memref_slice %arg4[%add3A_145] : memref<320000xi32, #tpu.memory_space<hbm>> -> memref<128xi32, #tpu.memory_space<hbm>>
        %dma_start3A_149 = tpu.memref_slice %arg4[%add3A_145] : memref<320000xi32, #tpu.memory_space<hbm>> -> memref<128xi32, #tpu.memory_space<hbm>>
        tpu.enqueue_dma source(%dma_start3A_149 : memref<128xi32, #tpu.memory_space<hbm>>) target(%arg8 : memref<128xi32, #tpu.memory_space<vmem>>) target_semaphore(%arg15 : memref<!tpu.dma_semaphore, #tpu.memory_space<semaphore_mem>>)
      } else {
      }
      %lt3A_121 = arith.constant 1250 : i32
      %lt3A_122 = arith.cmpi slt, %add3A_89, %lt3A_121 : i32
      %convert_element_type3A_123 = arith.extui %lt3A_122 : i1 to i32
      %cond3A_124 = arith.constant 0 : i32
      %cond3A_125 = arith.cmpi ne, %convert_element_type3A_123, %cond3A_124 : i32
      scf.if %cond3A_125 {
        %dma_wait3A_141 = arith.constant 0 : i32
        %dma_wait3A_142 = arith.constant 0 : i32
        %dma_wait3A_143 = tpu.memref_slice %arg2[%dma_wait3A_141, %dma_wait3A_142] : memref<10000x128xf32, #tpu.memory_space<hbm>> -> memref<10000x128xf32, #tpu.memory_space<hbm>>
        tpu.wait_indirect_dma semaphore(%arg14 : memref<!tpu.dma_semaphore, #tpu.memory_space<semaphore_mem>>) src(%dma_wait3A_143 : memref<10000x128xf32, #tpu.memory_space<hbm>>) dst(%arg12 : memref<128x128xf32, #tpu.memory_space<vmem>>)
      } else {
      }
      %lt3A_126 = arith.constant 1250 : i32
      %lt3A_127 = arith.cmpi slt, %add3A_96, %lt3A_126 : i32
      %convert_element_type3A_128 = arith.extui %lt3A_127 : i1 to i32
      %cond3A_129 = arith.constant 0 : i32
      %cond3A_130 = arith.cmpi ne, %convert_element_type3A_128, %cond3A_129 : i32
      scf.if %cond3A_130 {
        %mul3A_141 = arith.constant 160000 : i32
        %mul3A_142 = arith.muli %arg0, %mul3A_141 : i32
        %mul3A_143 = arith.constant 128 : i32
        %mul3A_144 = arith.muli %add3A_96, %mul3A_143 : i32
        %add3A_145 = arith.addi %mul3A_142, %mul3A_144 : i32
        %dma_wait3A_146 = tpu.memref_slice %arg3[%add3A_145] : memref<320000xi32, #tpu.memory_space<hbm>> -> memref<128xi32, #tpu.memory_space<hbm>>
        %dma_wait3A_147 = tpu.memref_slice %arg3[%add3A_145] : memref<320000xi32, #tpu.memory_space<hbm>> -> memref<128xi32, #tpu.memory_space<hbm>>
        tpu.wait_dma2 semaphore(%arg15 : memref<!tpu.dma_semaphore, #tpu.memory_space<semaphore_mem>>) src(%dma_wait3A_147 : memref<128xi32, #tpu.memory_space<hbm>>) dst(%arg7 : memref<128xi32, #tpu.memory_space<vmem>>)
        %dma_wait3A_148 = tpu.memref_slice %arg4[%add3A_145] : memref<320000xi32, #tpu.memory_space<hbm>> -> memref<128xi32, #tpu.memory_space<hbm>>
        %dma_wait3A_149 = tpu.memref_slice %arg4[%add3A_145] : memref<320000xi32, #tpu.memory_space<hbm>> -> memref<128xi32, #tpu.memory_space<hbm>>
        tpu.wait_dma2 semaphore(%arg15 : memref<!tpu.dma_semaphore, #tpu.memory_space<semaphore_mem>>) src(%dma_wait3A_149 : memref<128xi32, #tpu.memory_space<hbm>>) dst(%arg8 : memref<128xi32, #tpu.memory_space<vmem>>)
        %dma_start3A_150 = arith.constant 0 : i32
        %dma_start3A_151 = arith.constant 0 : i32
        %dma_start3A_152 = tpu.memref_slice %arg2[%dma_start3A_150, %dma_start3A_151] : memref<10000x128xf32, #tpu.memory_space<hbm>> -> memref<10000x128xf32, #tpu.memory_space<hbm>>
        tpu.enqueue_indirect_dma source(%dma_start3A_152 : memref<10000x128xf32, #tpu.memory_space<hbm>>) target(%arg11 : memref<128x128xf32, #tpu.memory_space<vmem>>) offsets(%arg7 : memref<128xi32, #tpu.memory_space<vmem>>) semaphore(%arg13 : memref<!tpu.dma_semaphore, #tpu.memory_space<semaphore_mem>>)
      } else {
      }
      %lt3A_131 = arith.constant 1250 : i32
      %lt3A_132 = arith.cmpi slt, %add3A_89, %lt3A_131 : i32
      %convert_element_type3A_133 = arith.extui %lt3A_132 : i1 to i32
      %cond3A_134 = arith.constant 0 : i32
      %cond3A_135 = arith.cmpi ne, %convert_element_type3A_133, %cond3A_134 : i32
      scf.if %cond3A_135 {
        "tpu.region"() ({
          %run_scoped3A = tpu.sem_alloc : memref<!tpu.dma_semaphore, #tpu.memory_space<semaphore_mem>>
          %dma_start3A_141 = arith.constant 0 : i32
          %dma_start3A_142 = arith.constant 0 : i32
          %dma_start3A_143 = tpu.memref_slice %arg6[%dma_start3A_141, %dma_start3A_142] : memref<10240x128xf32, #tpu.memory_space<vmem_shared>> -> memref<10240x128xf32, #tpu.memory_space<vmem_shared>>
          tpu.enqueue_indirect_dma source(%arg12 : memref<128x128xf32, #tpu.memory_space<vmem>>) target(%dma_start3A_143 : memref<10240x128xf32, #tpu.memory_space<vmem_shared>>) offsets(%arg10 : memref<128xi32, #tpu.memory_space<vmem>>) semaphore(%run_scoped3A : memref<!tpu.dma_semaphore, #tpu.memory_space<semaphore_mem>>) {add = true}
          %dma_wait3A_144 = arith.constant 0 : i32
          %dma_wait3A_145 = arith.constant 0 : i32
          %dma_wait3A_146 = tpu.memref_slice %arg6[%dma_wait3A_144, %dma_wait3A_145] : memref<10240x128xf32, #tpu.memory_space<vmem_shared>> -> memref<10240x128xf32, #tpu.memory_space<vmem_shared>>
          tpu.wait_indirect_dma semaphore(%run_scoped3A : memref<!tpu.dma_semaphore, #tpu.memory_space<semaphore_mem>>) src(%arg12 : memref<128x128xf32, #tpu.memory_space<vmem>>) dst(%dma_wait3A_146 : memref<10240x128xf32, #tpu.memory_space<vmem_shared>>)
          tpu.yield
        }) : () -> ()
      } else {
      }
      %lt3A_136 = arith.constant 1250 : i32
      %lt3A_137 = arith.cmpi slt, %add3A_103, %lt3A_136 : i32
      %convert_element_type3A_138 = arith.extui %lt3A_137 : i1 to i32
      %cond3A_139 = arith.constant 0 : i32
      %cond3A_140 = arith.cmpi ne, %convert_element_type3A_138, %cond3A_139 : i32
      scf.if %cond3A_140 {
        %mul3A_141 = arith.constant 160000 : i32
        %mul3A_142 = arith.muli %arg0, %mul3A_141 : i32
        %mul3A_143 = arith.constant 128 : i32
        %mul3A_144 = arith.muli %add3A_103, %mul3A_143 : i32
        %add3A_145 = arith.addi %mul3A_142, %mul3A_144 : i32
        %dma_start3A_146 = tpu.memref_slice %arg3[%add3A_145] : memref<320000xi32, #tpu.memory_space<hbm>> -> memref<128xi32, #tpu.memory_space<hbm>>
        %dma_start3A_147 = tpu.memref_slice %arg3[%add3A_145] : memref<320000xi32, #tpu.memory_space<hbm>> -> memref<128xi32, #tpu.memory_space<hbm>>
        tpu.enqueue_dma source(%dma_start3A_147 : memref<128xi32, #tpu.memory_space<hbm>>) target(%arg9 : memref<128xi32, #tpu.memory_space<vmem>>) target_semaphore(%arg16 : memref<!tpu.dma_semaphore, #tpu.memory_space<semaphore_mem>>)
        %dma_start3A_148 = tpu.memref_slice %arg4[%add3A_145] : memref<320000xi32, #tpu.memory_space<hbm>> -> memref<128xi32, #tpu.memory_space<hbm>>
        %dma_start3A_149 = tpu.memref_slice %arg4[%add3A_145] : memref<320000xi32, #tpu.memory_space<hbm>> -> memref<128xi32, #tpu.memory_space<hbm>>
        tpu.enqueue_dma source(%dma_start3A_149 : memref<128xi32, #tpu.memory_space<hbm>>) target(%arg10 : memref<128xi32, #tpu.memory_space<vmem>>) target_semaphore(%arg16 : memref<!tpu.dma_semaphore, #tpu.memory_space<semaphore_mem>>)
      } else {
      }
    }
    %scan3A_50 = arith.constant 40 : i32
    %barrier3A_51 = arith.constant 0 : index
    tpu.barrier barrier_id(%barrier3A_51)
    %add3A_52 = arith.constant 0 : i32
    %add3A_53 = arith.addi %mul3A_5, %add3A_52 : i32
    "tpu.region"() ({
      %run_scoped3A = tpu.sem_alloc : memref<!tpu.dma_semaphore, #tpu.memory_space<semaphore_mem>>
      %dma_start3A_77 = arith.constant 0 : i32
      %dma_start3A_78 = tpu.memref_slice %arg6[%add3A_53, %dma_start3A_77] : memref<10240x128xf32, #tpu.memory_space<vmem_shared>> -> memref<128x128xf32, #tpu.memory_space<vmem_shared>>
      %dma_start3A_79 = arith.constant 0 : i32
      %dma_start3A_80 = tpu.memref_slice %arg6[%add3A_53, %dma_start3A_79] : memref<10240x128xf32, #tpu.memory_space<vmem_shared>> -> memref<128x128xf32, #tpu.memory_space<vmem_shared>>
      tpu.enqueue_dma source(%dma_start3A_80 : memref<128x128xf32, #tpu.memory_space<vmem_shared>>) target(%arg12 : memref<128x128xf32, #tpu.memory_space<vmem>>) target_semaphore(%run_scoped3A : memref<!tpu.dma_semaphore, #tpu.memory_space<semaphore_mem>>)
      %dma_wait3A_81 = arith.constant 0 : i32
      %dma_wait3A_82 = tpu.memref_slice %arg6[%add3A_53, %dma_wait3A_81] : memref<10240x128xf32, #tpu.memory_space<vmem_shared>> -> memref<128x128xf32, #tpu.memory_space<vmem_shared>>
      %dma_wait3A_83 = arith.constant 0 : i32
      %dma_wait3A_84 = tpu.memref_slice %arg6[%add3A_53, %dma_wait3A_83] : memref<10240x128xf32, #tpu.memory_space<vmem_shared>> -> memref<128x128xf32, #tpu.memory_space<vmem_shared>>
      tpu.wait_dma2 semaphore(%run_scoped3A : memref<!tpu.dma_semaphore, #tpu.memory_space<semaphore_mem>>) src(%dma_wait3A_84 : memref<128x128xf32, #tpu.memory_space<vmem_shared>>) dst(%arg12 : memref<128x128xf32, #tpu.memory_space<vmem>>)
      tpu.yield
    }) : () -> ()
    %mul3A_54 = arith.constant 10240 : i32
    %mul3A_55 = arith.muli %arg0, %mul3A_54 : i32
    %add3A_56 = arith.addi %mul3A_55, %add3A_53 : i32
    "tpu.region"() ({
      %run_scoped3A = tpu.sem_alloc : memref<!tpu.dma_semaphore, #tpu.memory_space<semaphore_mem>>
      %dma_start3A_77 = arith.constant 0 : i32
      %dma_start3A_78 = tpu.memref_slice %arg5[%add3A_56, %dma_start3A_77] : memref<20480x128xf32, #tpu.memory_space<hbm>> -> memref<128x128xf32, #tpu.memory_space<hbm>>
      %dma_start3A_79 = arith.constant 0 : i32
      %dma_start3A_80 = tpu.memref_slice %arg5[%add3A_56, %dma_start3A_79] : memref<20480x128xf32, #tpu.memory_space<hbm>> -> memref<128x128xf32, #tpu.memory_space<hbm>>
      tpu.enqueue_dma source(%arg12 : memref<128x128xf32, #tpu.memory_space<vmem>>) target(%dma_start3A_80 : memref<128x128xf32, #tpu.memory_space<hbm>>) target_semaphore(%run_scoped3A : memref<!tpu.dma_semaphore, #tpu.memory_space<semaphore_mem>>)
      %dma_wait3A_81 = arith.constant 0 : i32
      %dma_wait3A_82 = tpu.memref_slice %arg5[%add3A_56, %dma_wait3A_81] : memref<20480x128xf32, #tpu.memory_space<hbm>> -> memref<128x128xf32, #tpu.memory_space<hbm>>
      %dma_wait3A_83 = arith.constant 0 : i32
      %dma_wait3A_84 = tpu.memref_slice %arg5[%add3A_56, %dma_wait3A_83] : memref<20480x128xf32, #tpu.memory_space<hbm>> -> memref<128x128xf32, #tpu.memory_space<hbm>>
      tpu.wait_dma2 semaphore(%run_scoped3A : memref<!tpu.dma_semaphore, #tpu.memory_space<semaphore_mem>>) src(%arg12 : memref<128x128xf32, #tpu.memory_space<vmem>>) dst(%dma_wait3A_84 : memref<128x128xf32, #tpu.memory_space<hbm>>)
      tpu.yield
    }) : () -> ()
    %add3A_57 = arith.constant 128 : i32
    %add3A_58 = arith.addi %mul3A_5, %add3A_57 : i32
    "tpu.region"() ({
      %run_scoped3A = tpu.sem_alloc : memref<!tpu.dma_semaphore, #tpu.memory_space<semaphore_mem>>
      %dma_start3A_77 = arith.constant 0 : i32
      %dma_start3A_78 = tpu.memref_slice %arg6[%add3A_58, %dma_start3A_77] : memref<10240x128xf32, #tpu.memory_space<vmem_shared>> -> memref<128x128xf32, #tpu.memory_space<vmem_shared>>
      %dma_start3A_79 = arith.constant 0 : i32
      %dma_start3A_80 = tpu.memref_slice %arg6[%add3A_58, %dma_start3A_79] : memref<10240x128xf32, #tpu.memory_space<vmem_shared>> -> memref<128x128xf32, #tpu.memory_space<vmem_shared>>
      tpu.enqueue_dma source(%dma_start3A_80 : memref<128x128xf32, #tpu.memory_space<vmem_shared>>) target(%arg12 : memref<128x128xf32, #tpu.memory_space<vmem>>) target_semaphore(%run_scoped3A : memref<!tpu.dma_semaphore, #tpu.memory_space<semaphore_mem>>)
      %dma_wait3A_81 = arith.constant 0 : i32
      %dma_wait3A_82 = tpu.memref_slice %arg6[%add3A_58, %dma_wait3A_81] : memref<10240x128xf32, #tpu.memory_space<vmem_shared>> -> memref<128x128xf32, #tpu.memory_space<vmem_shared>>
      %dma_wait3A_83 = arith.constant 0 : i32
      %dma_wait3A_84 = tpu.memref_slice %arg6[%add3A_58, %dma_wait3A_83] : memref<10240x128xf32, #tpu.memory_space<vmem_shared>> -> memref<128x128xf32, #tpu.memory_space<vmem_shared>>
      tpu.wait_dma2 semaphore(%run_scoped3A : memref<!tpu.dma_semaphore, #tpu.memory_space<semaphore_mem>>) src(%dma_wait3A_84 : memref<128x128xf32, #tpu.memory_space<vmem_shared>>) dst(%arg12 : memref<128x128xf32, #tpu.memory_space<vmem>>)
      tpu.yield
    }) : () -> ()
    %mul3A_59 = arith.constant 10240 : i32
    %mul3A_60 = arith.muli %arg0, %mul3A_59 : i32
    %add3A_61 = arith.addi %mul3A_60, %add3A_58 : i32
    "tpu.region"() ({
      %run_scoped3A = tpu.sem_alloc : memref<!tpu.dma_semaphore, #tpu.memory_space<semaphore_mem>>
      %dma_start3A_77 = arith.constant 0 : i32
      %dma_start3A_78 = tpu.memref_slice %arg5[%add3A_61, %dma_start3A_77] : memref<20480x128xf32, #tpu.memory_space<hbm>> -> memref<128x128xf32, #tpu.memory_space<hbm>>
      %dma_start3A_79 = arith.constant 0 : i32
      %dma_start3A_80 = tpu.memref_slice %arg5[%add3A_61, %dma_start3A_79] : memref<20480x128xf32, #tpu.memory_space<hbm>> -> memref<128x128xf32, #tpu.memory_space<hbm>>
      tpu.enqueue_dma source(%arg12 : memref<128x128xf32, #tpu.memory_space<vmem>>) target(%dma_start3A_80 : memref<128x128xf32, #tpu.memory_space<hbm>>) target_semaphore(%run_scoped3A : memref<!tpu.dma_semaphore, #tpu.memory_space<semaphore_mem>>)
      %dma_wait3A_81 = arith.constant 0 : i32
      %dma_wait3A_82 = tpu.memref_slice %arg5[%add3A_61, %dma_wait3A_81] : memref<20480x128xf32, #tpu.memory_space<hbm>> -> memref<128x128xf32, #tpu.memory_space<hbm>>
      %dma_wait3A_83 = arith.constant 0 : i32
      %dma_wait3A_84 = tpu.memref_slice %arg5[%add3A_61, %dma_wait3A_83] : memref<20480x128xf32, #tpu.memory_space<hbm>> -> memref<128x128xf32, #tpu.memory_space<hbm>>
      tpu.wait_dma2 semaphore(%run_scoped3A : memref<!tpu.dma_semaphore, #tpu.memory_space<semaphore_mem>>) src(%arg12 : memref<128x128xf32, #tpu.memory_space<vmem>>) dst(%dma_wait3A_84 : memref<128x128xf32, #tpu.memory_space<hbm>>)
      tpu.yield
    }) : () -> ()
    %add3A_62 = arith.constant 256 : i32
    %add3A_63 = arith.addi %mul3A_5, %add3A_62 : i32
    "tpu.region"() ({
      %run_scoped3A = tpu.sem_alloc : memref<!tpu.dma_semaphore, #tpu.memory_space<semaphore_mem>>
      %dma_start3A_77 = arith.constant 0 : i32
      %dma_start3A_78 = tpu.memref_slice %arg6[%add3A_63, %dma_start3A_77] : memref<10240x128xf32, #tpu.memory_space<vmem_shared>> -> memref<128x128xf32, #tpu.memory_space<vmem_shared>>
      %dma_start3A_79 = arith.constant 0 : i32
      %dma_start3A_80 = tpu.memref_slice %arg6[%add3A_63, %dma_start3A_79] : memref<10240x128xf32, #tpu.memory_space<vmem_shared>> -> memref<128x128xf32, #tpu.memory_space<vmem_shared>>
      tpu.enqueue_dma source(%dma_start3A_80 : memref<128x128xf32, #tpu.memory_space<vmem_shared>>) target(%arg12 : memref<128x128xf32, #tpu.memory_space<vmem>>) target_semaphore(%run_scoped3A : memref<!tpu.dma_semaphore, #tpu.memory_space<semaphore_mem>>)
      %dma_wait3A_81 = arith.constant 0 : i32
      %dma_wait3A_82 = tpu.memref_slice %arg6[%add3A_63, %dma_wait3A_81] : memref<10240x128xf32, #tpu.memory_space<vmem_shared>> -> memref<128x128xf32, #tpu.memory_space<vmem_shared>>
      %dma_wait3A_83 = arith.constant 0 : i32
      %dma_wait3A_84 = tpu.memref_slice %arg6[%add3A_63, %dma_wait3A_83] : memref<10240x128xf32, #tpu.memory_space<vmem_shared>> -> memref<128x128xf32, #tpu.memory_space<vmem_shared>>
      tpu.wait_dma2 semaphore(%run_scoped3A : memref<!tpu.dma_semaphore, #tpu.memory_space<semaphore_mem>>) src(%dma_wait3A_84 : memref<128x128xf32, #tpu.memory_space<vmem_shared>>) dst(%arg12 : memref<128x128xf32, #tpu.memory_space<vmem>>)
      tpu.yield
    }) : () -> ()
    %mul3A_64 = arith.constant 10240 : i32
    %mul3A_65 = arith.muli %arg0, %mul3A_64 : i32
    %add3A_66 = arith.addi %mul3A_65, %add3A_63 : i32
    "tpu.region"() ({
      %run_scoped3A = tpu.sem_alloc : memref<!tpu.dma_semaphore, #tpu.memory_space<semaphore_mem>>
      %dma_start3A_77 = arith.constant 0 : i32
      %dma_start3A_78 = tpu.memref_slice %arg5[%add3A_66, %dma_start3A_77] : memref<20480x128xf32, #tpu.memory_space<hbm>> -> memref<128x128xf32, #tpu.memory_space<hbm>>
      %dma_start3A_79 = arith.constant 0 : i32
      %dma_start3A_80 = tpu.memref_slice %arg5[%add3A_66, %dma_start3A_79] : memref<20480x128xf32, #tpu.memory_space<hbm>> -> memref<128x128xf32, #tpu.memory_space<hbm>>
      tpu.enqueue_dma source(%arg12 : memref<128x128xf32, #tpu.memory_space<vmem>>) target(%dma_start3A_80 : memref<128x128xf32, #tpu.memory_space<hbm>>) target_semaphore(%run_scoped3A : memref<!tpu.dma_semaphore, #tpu.memory_space<semaphore_mem>>)
      %dma_wait3A_81 = arith.constant 0 : i32
      %dma_wait3A_82 = tpu.memref_slice %arg5[%add3A_66, %dma_wait3A_81] : memref<20480x128xf32, #tpu.memory_space<hbm>> -> memref<128x128xf32, #tpu.memory_space<hbm>>
      %dma_wait3A_83 = arith.constant 0 : i32
      %dma_wait3A_84 = tpu.memref_slice %arg5[%add3A_66, %dma_wait3A_83] : memref<20480x128xf32, #tpu.memory_space<hbm>> -> memref<128x128xf32, #tpu.memory_space<hbm>>
      tpu.wait_dma2 semaphore(%run_scoped3A : memref<!tpu.dma_semaphore, #tpu.memory_space<semaphore_mem>>) src(%arg12 : memref<128x128xf32, #tpu.memory_space<vmem>>) dst(%dma_wait3A_84 : memref<128x128xf32, #tpu.memory_space<hbm>>)
      tpu.yield
    }) : () -> ()
    %add3A_67 = arith.constant 384 : i32
    %add3A_68 = arith.addi %mul3A_5, %add3A_67 : i32
    "tpu.region"() ({
      %run_scoped3A = tpu.sem_alloc : memref<!tpu.dma_semaphore, #tpu.memory_space<semaphore_mem>>
      %dma_start3A_77 = arith.constant 0 : i32
      %dma_start3A_78 = tpu.memref_slice %arg6[%add3A_68, %dma_start3A_77] : memref<10240x128xf32, #tpu.memory_space<vmem_shared>> -> memref<128x128xf32, #tpu.memory_space<vmem_shared>>
      %dma_start3A_79 = arith.constant 0 : i32
      %dma_start3A_80 = tpu.memref_slice %arg6[%add3A_68, %dma_start3A_79] : memref<10240x128xf32, #tpu.memory_space<vmem_shared>> -> memref<128x128xf32, #tpu.memory_space<vmem_shared>>
      tpu.enqueue_dma source(%dma_start3A_80 : memref<128x128xf32, #tpu.memory_space<vmem_shared>>) target(%arg12 : memref<128x128xf32, #tpu.memory_space<vmem>>) target_semaphore(%run_scoped3A : memref<!tpu.dma_semaphore, #tpu.memory_space<semaphore_mem>>)
      %dma_wait3A_81 = arith.constant 0 : i32
      %dma_wait3A_82 = tpu.memref_slice %arg6[%add3A_68, %dma_wait3A_81] : memref<10240x128xf32, #tpu.memory_space<vmem_shared>> -> memref<128x128xf32, #tpu.memory_space<vmem_shared>>
      %dma_wait3A_83 = arith.constant 0 : i32
      %dma_wait3A_84 = tpu.memref_slice %arg6[%add3A_68, %dma_wait3A_83] : memref<10240x128xf32, #tpu.memory_space<vmem_shared>> -> memref<128x128xf32, #tpu.memory_space<vmem_shared>>
      tpu.wait_dma2 semaphore(%run_scoped3A : memref<!tpu.dma_semaphore, #tpu.memory_space<semaphore_mem>>) src(%dma_wait3A_84 : memref<128x128xf32, #tpu.memory_space<vmem_shared>>) dst(%arg12 : memref<128x128xf32, #tpu.memory_space<vmem>>)
      tpu.yield
    }) : () -> ()
    %mul3A_69 = arith.constant 10240 : i32
    %mul3A_70 = arith.muli %arg0, %mul3A_69 : i32
    %add3A_71 = arith.addi %mul3A_70, %add3A_68 : i32
    "tpu.region"() ({
      %run_scoped3A = tpu.sem_alloc : memref<!tpu.dma_semaphore, #tpu.memory_space<semaphore_mem>>
      %dma_start3A_77 = arith.constant 0 : i32
      %dma_start3A_78 = tpu.memref_slice %arg5[%add3A_71, %dma_start3A_77] : memref<20480x128xf32, #tpu.memory_space<hbm>> -> memref<128x128xf32, #tpu.memory_space<hbm>>
      %dma_start3A_79 = arith.constant 0 : i32
      %dma_start3A_80 = tpu.memref_slice %arg5[%add3A_71, %dma_start3A_79] : memref<20480x128xf32, #tpu.memory_space<hbm>> -> memref<128x128xf32, #tpu.memory_space<hbm>>
      tpu.enqueue_dma source(%arg12 : memref<128x128xf32, #tpu.memory_space<vmem>>) target(%dma_start3A_80 : memref<128x128xf32, #tpu.memory_space<hbm>>) target_semaphore(%run_scoped3A : memref<!tpu.dma_semaphore, #tpu.memory_space<semaphore_mem>>)
      %dma_wait3A_81 = arith.constant 0 : i32
      %dma_wait3A_82 = tpu.memref_slice %arg5[%add3A_71, %dma_wait3A_81] : memref<20480x128xf32, #tpu.memory_space<hbm>> -> memref<128x128xf32, #tpu.memory_space<hbm>>
      %dma_wait3A_83 = arith.constant 0 : i32
      %dma_wait3A_84 = tpu.memref_slice %arg5[%add3A_71, %dma_wait3A_83] : memref<20480x128xf32, #tpu.memory_space<hbm>> -> memref<128x128xf32, #tpu.memory_space<hbm>>
      tpu.wait_dma2 semaphore(%run_scoped3A : memref<!tpu.dma_semaphore, #tpu.memory_space<semaphore_mem>>) src(%arg12 : memref<128x128xf32, #tpu.memory_space<vmem>>) dst(%dma_wait3A_84 : memref<128x128xf32, #tpu.memory_space<hbm>>)
      tpu.yield
    }) : () -> ()
    %add3A_72 = arith.constant 512 : i32
    %add3A_73 = arith.addi %mul3A_5, %add3A_72 : i32
    "tpu.region"() ({
      %run_scoped3A = tpu.sem_alloc : memref<!tpu.dma_semaphore, #tpu.memory_space<semaphore_mem>>
      %dma_start3A_77 = arith.constant 0 : i32
      %dma_start3A_78 = tpu.memref_slice %arg6[%add3A_73, %dma_start3A_77] : memref<10240x128xf32, #tpu.memory_space<vmem_shared>> -> memref<128x128xf32, #tpu.memory_space<vmem_shared>>
      %dma_start3A_79 = arith.constant 0 : i32
      %dma_start3A_80 = tpu.memref_slice %arg6[%add3A_73, %dma_start3A_79] : memref<10240x128xf32, #tpu.memory_space<vmem_shared>> -> memref<128x128xf32, #tpu.memory_space<vmem_shared>>
      tpu.enqueue_dma source(%dma_start3A_80 : memref<128x128xf32, #tpu.memory_space<vmem_shared>>) target(%arg12 : memref<128x128xf32, #tpu.memory_space<vmem>>) target_semaphore(%run_scoped3A : memref<!tpu.dma_semaphore, #tpu.memory_space<semaphore_mem>>)
      %dma_wait3A_81 = arith.constant 0 : i32
      %dma_wait3A_82 = tpu.memref_slice %arg6[%add3A_73, %dma_wait3A_81] : memref<10240x128xf32, #tpu.memory_space<vmem_shared>> -> memref<128x128xf32, #tpu.memory_space<vmem_shared>>
      %dma_wait3A_83 = arith.constant 0 : i32
      %dma_wait3A_84 = tpu.memref_slice %arg6[%add3A_73, %dma_wait3A_83] : memref<10240x128xf32, #tpu.memory_space<vmem_shared>> -> memref<128x128xf32, #tpu.memory_space<vmem_shared>>
      tpu.wait_dma2 semaphore(%run_scoped3A : memref<!tpu.dma_semaphore, #tpu.memory_space<semaphore_mem>>) src(%dma_wait3A_84 : memref<128x128xf32, #tpu.memory_space<vmem_shared>>) dst(%arg12 : memref<128x128xf32, #tpu.memory_space<vmem>>)
      tpu.yield
    }) : () -> ()
    %mul3A_74 = arith.constant 10240 : i32
    %mul3A_75 = arith.muli %arg0, %mul3A_74 : i32
    %add3A_76 = arith.addi %mul3A_75, %add3A_73 : i32
    "tpu.region"() ({
      %run_scoped3A = tpu.sem_alloc : memref<!tpu.dma_semaphore, #tpu.memory_space<semaphore_mem>>
      %dma_start3A_77 = arith.constant 0 : i32
      %dma_start3A_78 = tpu.memref_slice %arg5[%add3A_76, %dma_start3A_77] : memref<20480x128xf32, #tpu.memory_space<hbm>> -> memref<128x128xf32, #tpu.memory_space<hbm>>
      %dma_start3A_79 = arith.constant 0 : i32
      %dma_start3A_80 = tpu.memref_slice %arg5[%add3A_76, %dma_start3A_79] : memref<20480x128xf32, #tpu.memory_space<hbm>> -> memref<128x128xf32, #tpu.memory_space<hbm>>
      tpu.enqueue_dma source(%arg12 : memref<128x128xf32, #tpu.memory_space<vmem>>) target(%dma_start3A_80 : memref<128x128xf32, #tpu.memory_space<hbm>>) target_semaphore(%run_scoped3A : memref<!tpu.dma_semaphore, #tpu.memory_space<semaphore_mem>>)
      %dma_wait3A_81 = arith.constant 0 : i32
      %dma_wait3A_82 = tpu.memref_slice %arg5[%add3A_76, %dma_wait3A_81] : memref<20480x128xf32, #tpu.memory_space<hbm>> -> memref<128x128xf32, #tpu.memory_space<hbm>>
      %dma_wait3A_83 = arith.constant 0 : i32
      %dma_wait3A_84 = tpu.memref_slice %arg5[%add3A_76, %dma_wait3A_83] : memref<20480x128xf32, #tpu.memory_space<hbm>> -> memref<128x128xf32, #tpu.memory_space<hbm>>
      tpu.wait_dma2 semaphore(%run_scoped3A : memref<!tpu.dma_semaphore, #tpu.memory_space<semaphore_mem>>) src(%arg12 : memref<128x128xf32, #tpu.memory_space<vmem>>) dst(%dma_wait3A_84 : memref<128x128xf32, #tpu.memory_space<hbm>>)
      tpu.yield
    }) : () -> ()
    return
  }
}

#map = affine_map<(d0, d1) -> (0, 0)>
#map1 = affine_map<(d0, d1) -> (0)>
module attributes {stable_mosaic.version = 14 : i64} {
  func.func @segsum(%arg0: i32, %arg1: i32, %arg2: memref<10000x144xf32, #tpu.memory_space<hbm>>, %arg3: memref<320000xi32, #tpu.memory_space<hbm>>, %arg4: memref<320000xi32, #tpu.memory_space<hbm>>, %arg5: memref<20480x144xf32, #tpu.memory_space<hbm>>, %arg6: memref<10240x144xf32, #tpu.memory_space<vmem_shared>>, %arg7: memref<128xi32, #tpu.memory_space<vmem>>, %arg8: memref<128xi32, #tpu.memory_space<vmem>>, %arg9: memref<128xi32, #tpu.memory_space<vmem>>, %arg10: memref<128xi32, #tpu.memory_space<vmem>>, %arg11: memref<128x144xf32, #tpu.memory_space<vmem>>, %arg12: memref<128x144xf32, #tpu.memory_space<vmem>>, %arg13: memref<!tpu.dma_semaphore, #tpu.memory_space<semaphore_mem>>, %arg14: memref<!tpu.dma_semaphore, #tpu.memory_space<semaphore_mem>>, %arg15: memref<!tpu.dma_semaphore, #tpu.memory_space<semaphore_mem>>, %arg16: memref<!tpu.dma_semaphore, #tpu.memory_space<semaphore_mem>>) attributes {dimension_semantics = [#tpu.dimension_semantics<core_parallel>, #tpu.dimension_semantics<subcore_parallel>], iteration_bounds = array<i64: 2, 16>, scalar_prefetch = 0 : i64, scratch_operands = 11 : i64, tpu.core_type = #tpu.core_type<sc_vector_subcore>, window_params = [{transform_indices = #map}, {transform_indices = #map1}, {transform_indices = #map1}, {transform_indices = #map}]} {
    %scan3A = arith.constant 0 : i32
    %scan3A_0 = arith.constant 0 : i32
    %scan3A_1 = arith.constant 128 : i32
    %scan3A_2 = arith.addi %scan3A_0, %scan3A_1 : i32
    %scan3A_3 = arith.constant 1 : i32
    scf.for %scan3A_77 = %scan3A_0 to %scan3A_2 step %scan3A_3  : i32 {
      %broadcast_in_dim3A = arith.constant 0.000000e+00 : f32
      %broadcast_in_dim3A_78 = vector.broadcast %broadcast_in_dim3A : f32 to vector<16xf32>
      %swap3A = arith.index_cast %scan3A_77 : i32 to index
      %swap3A_79 = arith.constant 0 : index
      %swap3A_80 = tpu.vector_load %arg12[%swap3A, %swap3A_79] {strides = array<i32>} : memref<128x144xf32, #tpu.memory_space<vmem>>, vector<1x16xf32>,
      %swap3A_81 = vector.shape_cast %swap3A_80 : vector<1x16xf32> to vector<16xf32>
      %swap3A_82 = vector.shape_cast %broadcast_in_dim3A_78 : vector<16xf32> to vector<1x16xf32>
      tpu.vector_store %arg12[%swap3A, %swap3A_79], %swap3A_82 {strides = array<i32>} : memref<128x144xf32, #tpu.memory_space<vmem>>, vector<1x16xf32>,
      %broadcast_in_dim3A_83 = arith.constant 0.000000e+00 : f32
      %broadcast_in_dim3A_84 = vector.broadcast %broadcast_in_dim3A_83 : f32 to vector<16xf32>
      %swap3A_85 = arith.index_cast %scan3A_77 : i32 to index
      %swap3A_86 = arith.constant 16 : index
      %swap3A_87 = tpu.vector_load %arg12[%swap3A_85, %swap3A_86] {strides = array<i32>} : memref<128x144xf32, #tpu.memory_space<vmem>>, vector<1x16xf32>,
      %swap3A_88 = vector.shape_cast %swap3A_87 : vector<1x16xf32> to vector<16xf32>
      %swap3A_89 = vector.shape_cast %broadcast_in_dim3A_84 : vector<16xf32> to vector<1x16xf32>
      tpu.vector_store %arg12[%swap3A_85, %swap3A_86], %swap3A_89 {strides = array<i32>} : memref<128x144xf32, #tpu.memory_space<vmem>>, vector<1x16xf32>,
      %broadcast_in_dim3A_90 = arith.constant 0.000000e+00 : f32
      %broadcast_in_dim3A_91 = vector.broadcast %broadcast_in_dim3A_90 : f32 to vector<16xf32>
      %swap3A_92 = arith.index_cast %scan3A_77 : i32 to index
      %swap3A_93 = arith.constant 32 : index
      %swap3A_94 = tpu.vector_load %arg12[%swap3A_92, %swap3A_93] {strides = array<i32>} : memref<128x144xf32, #tpu.memory_space<vmem>>, vector<1x16xf32>,
      %swap3A_95 = vector.shape_cast %swap3A_94 : vector<1x16xf32> to vector<16xf32>
      %swap3A_96 = vector.shape_cast %broadcast_in_dim3A_91 : vector<16xf32> to vector<1x16xf32>
      tpu.vector_store %arg12[%swap3A_92, %swap3A_93], %swap3A_96 {strides = array<i32>} : memref<128x144xf32, #tpu.memory_space<vmem>>, vector<1x16xf32>,
      %broadcast_in_dim3A_97 = arith.constant 0.000000e+00 : f32
      %broadcast_in_dim3A_98 = vector.broadcast %broadcast_in_dim3A_97 : f32 to vector<16xf32>
      %swap3A_99 = arith.index_cast %scan3A_77 : i32 to index
      %swap3A_100 = arith.constant 48 : index
      %swap3A_101 = tpu.vector_load %arg12[%swap3A_99, %swap3A_100] {strides = array<i32>} : memref<128x144xf32, #tpu.memory_space<vmem>>, vector<1x16xf32>,
      %swap3A_102 = vector.shape_cast %swap3A_101 : vector<1x16xf32> to vector<16xf32>
      %swap3A_103 = vector.shape_cast %broadcast_in_dim3A_98 : vector<16xf32> to vector<1x16xf32>
      tpu.vector_store %arg12[%swap3A_99, %swap3A_100], %swap3A_103 {strides = array<i32>} : memref<128x144xf32, #tpu.memory_space<vmem>>, vector<1x16xf32>,
      %broadcast_in_dim3A_104 = arith.constant 0.000000e+00 : f32
      %broadcast_in_dim3A_105 = vector.broadcast %broadcast_in_dim3A_104 : f32 to vector<16xf32>
      %swap3A_106 = arith.index_cast %scan3A_77 : i32 to index
      %swap3A_107 = arith.constant 64 : index
      %swap3A_108 = tpu.vector_load %arg12[%swap3A_106, %swap3A_107] {strides = array<i32>} : memref<128x144xf32, #tpu.memory_space<vmem>>, vector<1x16xf32>,
      %swap3A_109 = vector.shape_cast %swap3A_108 : vector<1x16xf32> to vector<16xf32>
      %swap3A_110 = vector.shape_cast %broadcast_in_dim3A_105 : vector<16xf32> to vector<1x16xf32>
      tpu.vector_store %arg12[%swap3A_106, %swap3A_107], %swap3A_110 {strides = array<i32>} : memref<128x144xf32, #tpu.memory_space<vmem>>, vector<1x16xf32>,
      %broadcast_in_dim3A_111 = arith.constant 0.000000e+00 : f32
      %broadcast_in_dim3A_112 = vector.broadcast %broadcast_in_dim3A_111 : f32 to vector<16xf32>
      %swap3A_113 = arith.index_cast %scan3A_77 : i32 to index
      %swap3A_114 = arith.constant 80 : index
      %swap3A_115 = tpu.vector_load %arg12[%swap3A_113, %swap3A_114] {strides = array<i32>} : memref<128x144xf32, #tpu.memory_space<vmem>>, vector<1x16xf32>,
      %swap3A_116 = vector.shape_cast %swap3A_115 : vector<1x16xf32> to vector<16xf32>
      %swap3A_117 = vector.shape_cast %broadcast_in_dim3A_112 : vector<16xf32> to vector<1x16xf32>
      tpu.vector_store %arg12[%swap3A_113, %swap3A_114], %swap3A_117 {strides = array<i32>} : memref<128x144xf32, #tpu.memory_space<vmem>>, vector<1x16xf32>,
      %broadcast_in_dim3A_118 = arith.constant 0.000000e+00 : f32
      %broadcast_in_dim3A_119 = vector.broadcast %broadcast_in_dim3A_118 : f32 to vector<16xf32>
      %swap3A_120 = arith.index_cast %scan3A_77 : i32 to index
      %swap3A_121 = arith.constant 96 : index
      %swap3A_122 = tpu.vector_load %arg12[%swap3A_120, %swap3A_121] {strides = array<i32>} : memref<128x144xf32, #tpu.memory_space<vmem>>, vector<1x16xf32>,
      %swap3A_123 = vector.shape_cast %swap3A_122 : vector<1x16xf32> to vector<16xf32>
      %swap3A_124 = vector.shape_cast %broadcast_in_dim3A_119 : vector<16xf32> to vector<1x16xf32>
      tpu.vector_store %arg12[%swap3A_120, %swap3A_121], %swap3A_124 {strides = array<i32>} : memref<128x144xf32, #tpu.memory_space<vmem>>, vector<1x16xf32>,
      %broadcast_in_dim3A_125 = arith.constant 0.000000e+00 : f32
      %broadcast_in_dim3A_126 = vector.broadcast %broadcast_in_dim3A_125 : f32 to vector<16xf32>
      %swap3A_127 = arith.index_cast %scan3A_77 : i32 to index
      %swap3A_128 = arith.constant 112 : index
      %swap3A_129 = tpu.vector_load %arg12[%swap3A_127, %swap3A_128] {strides = array<i32>} : memref<128x144xf32, #tpu.memory_space<vmem>>, vector<1x16xf32>,
      %swap3A_130 = vector.shape_cast %swap3A_129 : vector<1x16xf32> to vector<16xf32>
      %swap3A_131 = vector.shape_cast %broadcast_in_dim3A_126 : vector<16xf32> to vector<1x16xf32>
      tpu.vector_store %arg12[%swap3A_127, %swap3A_128], %swap3A_131 {strides = array<i32>} : memref<128x144xf32, #tpu.memory_space<vmem>>, vector<1x16xf32>,
      %broadcast_in_dim3A_132 = arith.constant 0.000000e+00 : f32
      %broadcast_in_dim3A_133 = vector.broadcast %broadcast_in_dim3A_132 : f32 to vector<16xf32>
      %swap3A_134 = arith.index_cast %scan3A_77 : i32 to index
      %swap3A_135 = arith.constant 128 : index
      %swap3A_136 = tpu.vector_load %arg12[%swap3A_134, %swap3A_135] {strides = array<i32>} : memref<128x144xf32, #tpu.memory_space<vmem>>, vector<1x16xf32>,
      %swap3A_137 = vector.shape_cast %swap3A_136 : vector<1x16xf32> to vector<16xf32>
      %swap3A_138 = vector.shape_cast %broadcast_in_dim3A_133 : vector<16xf32> to vector<1x16xf32>
      tpu.vector_store %arg12[%swap3A_134, %swap3A_135], %swap3A_138 {strides = array<i32>} : memref<128x144xf32, #tpu.memory_space<vmem>>, vector<1x16xf32>,
    }
    %scan3A_4 = arith.constant 128 : i32
    %mul3A = arith.constant 640 : i32
    %mul3A_5 = arith.muli %arg1, %mul3A : i32
    %add3A = arith.constant 0 : i32
    %add3A_6 = arith.addi %mul3A_5, %add3A : i32
    "tpu.region"() ({
      %run_scoped3A = tpu.sem_alloc : memref<!tpu.dma_semaphore, #tpu.memory_space<semaphore_mem>>
      %dma_start3A_77 = arith.constant 0 : i32
      %dma_start3A_78 = tpu.memref_slice %arg6[%add3A_6, %dma_start3A_77] : memref<10240x144xf32, #tpu.memory_space<vmem_shared>> -> memref<128x144xf32, #tpu.memory_space<vmem_shared>>
      %dma_start3A_79 = arith.constant 0 : i32
      %dma_start3A_80 = tpu.memref_slice %arg6[%add3A_6, %dma_start3A_79] : memref<10240x144xf32, #tpu.memory_space<vmem_shared>> -> memref<128x144xf32, #tpu.memory_space<vmem_shared>>
      tpu.enqueue_dma source(%arg12 : memref<128x144xf32, #tpu.memory_space<vmem>>) target(%dma_start3A_80 : memref<128x144xf32, #tpu.memory_space<vmem_shared>>) target_semaphore(%run_scoped3A : memref<!tpu.dma_semaphore, #tpu.memory_space<semaphore_mem>>)
      %dma_wait3A_81 = arith.constant 0 : i32
      %dma_wait3A_82 = tpu.memref_slice %arg6[%add3A_6, %dma_wait3A_81] : memref<10240x144xf32, #tpu.memory_space<vmem_shared>> -> memref<128x144xf32, #tpu.memory_space<vmem_shared>>
      %dma_wait3A_83 = arith.constant 0 : i32
      %dma_wait3A_84 = tpu.memref_slice %arg6[%add3A_6, %dma_wait3A_83] : memref<10240x144xf32, #tpu.memory_space<vmem_shared>> -> memref<128x144xf32, #tpu.memory_space<vmem_shared>>
      tpu.wait_dma2 semaphore(%run_scoped3A : memref<!tpu.dma_semaphore, #tpu.memory_space<semaphore_mem>>) src(%arg12 : memref<128x144xf32, #tpu.memory_space<vmem>>) dst(%dma_wait3A_84 : memref<128x144xf32, #tpu.memory_space<vmem_shared>>)
      tpu.yield
    }) : () -> ()
    %add3A_7 = arith.constant 128 : i32
    %add3A_8 = arith.addi %mul3A_5, %add3A_7 : i32
    "tpu.region"() ({
      %run_scoped3A = tpu.sem_alloc : memref<!tpu.dma_semaphore, #tpu.memory_space<semaphore_mem>>
      %dma_start3A_77 = arith.constant 0 : i32
      %dma_start3A_78 = tpu.memref_slice %arg6[%add3A_8, %dma_start3A_77] : memref<10240x144xf32, #tpu.memory_space<vmem_shared>> -> memref<128x144xf32, #tpu.memory_space<vmem_shared>>
      %dma_start3A_79 = arith.constant 0 : i32
      %dma_start3A_80 = tpu.memref_slice %arg6[%add3A_8, %dma_start3A_79] : memref<10240x144xf32, #tpu.memory_space<vmem_shared>> -> memref<128x144xf32, #tpu.memory_space<vmem_shared>>
      tpu.enqueue_dma source(%arg12 : memref<128x144xf32, #tpu.memory_space<vmem>>) target(%dma_start3A_80 : memref<128x144xf32, #tpu.memory_space<vmem_shared>>) target_semaphore(%run_scoped3A : memref<!tpu.dma_semaphore, #tpu.memory_space<semaphore_mem>>)
      %dma_wait3A_81 = arith.constant 0 : i32
      %dma_wait3A_82 = tpu.memref_slice %arg6[%add3A_8, %dma_wait3A_81] : memref<10240x144xf32, #tpu.memory_space<vmem_shared>> -> memref<128x144xf32, #tpu.memory_space<vmem_shared>>
      %dma_wait3A_83 = arith.constant 0 : i32
      %dma_wait3A_84 = tpu.memref_slice %arg6[%add3A_8, %dma_wait3A_83] : memref<10240x144xf32, #tpu.memory_space<vmem_shared>> -> memref<128x144xf32, #tpu.memory_space<vmem_shared>>
      tpu.wait_dma2 semaphore(%run_scoped3A : memref<!tpu.dma_semaphore, #tpu.memory_space<semaphore_mem>>) src(%arg12 : memref<128x144xf32, #tpu.memory_space<vmem>>) dst(%dma_wait3A_84 : memref<128x144xf32, #tpu.memory_space<vmem_shared>>)
      tpu.yield
    }) : () -> ()
    %add3A_9 = arith.constant 256 : i32
    %add3A_10 = arith.addi %mul3A_5, %add3A_9 : i32
    "tpu.region"() ({
      %run_scoped3A = tpu.sem_alloc : memref<!tpu.dma_semaphore, #tpu.memory_space<semaphore_mem>>
      %dma_start3A_77 = arith.constant 0 : i32
      %dma_start3A_78 = tpu.memref_slice %arg6[%add3A_10, %dma_start3A_77] : memref<10240x144xf32, #tpu.memory_space<vmem_shared>> -> memref<128x144xf32, #tpu.memory_space<vmem_shared>>
      %dma_start3A_79 = arith.constant 0 : i32
      %dma_start3A_80 = tpu.memref_slice %arg6[%add3A_10, %dma_start3A_79] : memref<10240x144xf32, #tpu.memory_space<vmem_shared>> -> memref<128x144xf32, #tpu.memory_space<vmem_shared>>
      tpu.enqueue_dma source(%arg12 : memref<128x144xf32, #tpu.memory_space<vmem>>) target(%dma_start3A_80 : memref<128x144xf32, #tpu.memory_space<vmem_shared>>) target_semaphore(%run_scoped3A : memref<!tpu.dma_semaphore, #tpu.memory_space<semaphore_mem>>)
      %dma_wait3A_81 = arith.constant 0 : i32
      %dma_wait3A_82 = tpu.memref_slice %arg6[%add3A_10, %dma_wait3A_81] : memref<10240x144xf32, #tpu.memory_space<vmem_shared>> -> memref<128x144xf32, #tpu.memory_space<vmem_shared>>
      %dma_wait3A_83 = arith.constant 0 : i32
      %dma_wait3A_84 = tpu.memref_slice %arg6[%add3A_10, %dma_wait3A_83] : memref<10240x144xf32, #tpu.memory_space<vmem_shared>> -> memref<128x144xf32, #tpu.memory_space<vmem_shared>>
      tpu.wait_dma2 semaphore(%run_scoped3A : memref<!tpu.dma_semaphore, #tpu.memory_space<semaphore_mem>>) src(%arg12 : memref<128x144xf32, #tpu.memory_space<vmem>>) dst(%dma_wait3A_84 : memref<128x144xf32, #tpu.memory_space<vmem_shared>>)
      tpu.yield
    }) : () -> ()
    %add3A_11 = arith.constant 384 : i32
    %add3A_12 = arith.addi %mul3A_5, %add3A_11 : i32
    "tpu.region"() ({
      %run_scoped3A = tpu.sem_alloc : memref<!tpu.dma_semaphore, #tpu.memory_space<semaphore_mem>>
      %dma_start3A_77 = arith.constant 0 : i32
      %dma_start3A_78 = tpu.memref_slice %arg6[%add3A_12, %dma_start3A_77] : memref<10240x144xf32, #tpu.memory_space<vmem_shared>> -> memref<128x144xf32, #tpu.memory_space<vmem_shared>>
      %dma_start3A_79 = arith.constant 0 : i32
      %dma_start3A_80 = tpu.memref_slice %arg6[%add3A_12, %dma_start3A_79] : memref<10240x144xf32, #tpu.memory_space<vmem_shared>> -> memref<128x144xf32, #tpu.memory_space<vmem_shared>>
      tpu.enqueue_dma source(%arg12 : memref<128x144xf32, #tpu.memory_space<vmem>>) target(%dma_start3A_80 : memref<128x144xf32, #tpu.memory_space<vmem_shared>>) target_semaphore(%run_scoped3A : memref<!tpu.dma_semaphore, #tpu.memory_space<semaphore_mem>>)
      %dma_wait3A_81 = arith.constant 0 : i32
      %dma_wait3A_82 = tpu.memref_slice %arg6[%add3A_12, %dma_wait3A_81] : memref<10240x144xf32, #tpu.memory_space<vmem_shared>> -> memref<128x144xf32, #tpu.memory_space<vmem_shared>>
      %dma_wait3A_83 = arith.constant 0 : i32
      %dma_wait3A_84 = tpu.memref_slice %arg6[%add3A_12, %dma_wait3A_83] : memref<10240x144xf32, #tpu.memory_space<vmem_shared>> -> memref<128x144xf32, #tpu.memory_space<vmem_shared>>
      tpu.wait_dma2 semaphore(%run_scoped3A : memref<!tpu.dma_semaphore, #tpu.memory_space<semaphore_mem>>) src(%arg12 : memref<128x144xf32, #tpu.memory_space<vmem>>) dst(%dma_wait3A_84 : memref<128x144xf32, #tpu.memory_space<vmem_shared>>)
      tpu.yield
    }) : () -> ()
    %add3A_13 = arith.constant 512 : i32
    %add3A_14 = arith.addi %mul3A_5, %add3A_13 : i32
    "tpu.region"() ({
      %run_scoped3A = tpu.sem_alloc : memref<!tpu.dma_semaphore, #tpu.memory_space<semaphore_mem>>
      %dma_start3A_77 = arith.constant 0 : i32
      %dma_start3A_78 = tpu.memref_slice %arg6[%add3A_14, %dma_start3A_77] : memref<10240x144xf32, #tpu.memory_space<vmem_shared>> -> memref<128x144xf32, #tpu.memory_space<vmem_shared>>
      %dma_start3A_79 = arith.constant 0 : i32
      %dma_start3A_80 = tpu.memref_slice %arg6[%add3A_14, %dma_start3A_79] : memref<10240x144xf32, #tpu.memory_space<vmem_shared>> -> memref<128x144xf32, #tpu.memory_space<vmem_shared>>
      tpu.enqueue_dma source(%arg12 : memref<128x144xf32, #tpu.memory_space<vmem>>) target(%dma_start3A_80 : memref<128x144xf32, #tpu.memory_space<vmem_shared>>) target_semaphore(%run_scoped3A : memref<!tpu.dma_semaphore, #tpu.memory_space<semaphore_mem>>)
      %dma_wait3A_81 = arith.constant 0 : i32
      %dma_wait3A_82 = tpu.memref_slice %arg6[%add3A_14, %dma_wait3A_81] : memref<10240x144xf32, #tpu.memory_space<vmem_shared>> -> memref<128x144xf32, #tpu.memory_space<vmem_shared>>
      %dma_wait3A_83 = arith.constant 0 : i32
      %dma_wait3A_84 = tpu.memref_slice %arg6[%add3A_14, %dma_wait3A_83] : memref<10240x144xf32, #tpu.memory_space<vmem_shared>> -> memref<128x144xf32, #tpu.memory_space<vmem_shared>>
      tpu.wait_dma2 semaphore(%run_scoped3A : memref<!tpu.dma_semaphore, #tpu.memory_space<semaphore_mem>>) src(%arg12 : memref<128x144xf32, #tpu.memory_space<vmem>>) dst(%dma_wait3A_84 : memref<128x144xf32, #tpu.memory_space<vmem_shared>>)
      tpu.yield
    }) : () -> ()
    %barrier3A = arith.constant 0 : index
    tpu.barrier barrier_id(%barrier3A)
    %mul3A_15 = arith.constant 160000 : i32
    %mul3A_16 = arith.muli %arg0, %mul3A_15 : i32
    %mul3A_17 = arith.constant 128 : i32
    %mul3A_18 = arith.muli %arg1, %mul3A_17 : i32
    %add3A_19 = arith.addi %mul3A_16, %mul3A_18 : i32
    %dma_start3A = tpu.memref_slice %arg3[%add3A_19] : memref<320000xi32, #tpu.memory_space<hbm>> -> memref<128xi32, #tpu.memory_space<hbm>>
    %dma_start3A_20 = tpu.memref_slice %arg3[%add3A_19] : memref<320000xi32, #tpu.memory_space<hbm>> -> memref<128xi32, #tpu.memory_space<hbm>>
    tpu.enqueue_dma source(%dma_start3A_20 : memref<128xi32, #tpu.memory_space<hbm>>) target(%arg7 : memref<128xi32, #tpu.memory_space<vmem>>) target_semaphore(%arg15 : memref<!tpu.dma_semaphore, #tpu.memory_space<semaphore_mem>>)
    %dma_start3A_21 = tpu.memref_slice %arg4[%add3A_19] : memref<320000xi32, #tpu.memory_space<hbm>> -> memref<128xi32, #tpu.memory_space<hbm>>
    %dma_start3A_22 = tpu.memref_slice %arg4[%add3A_19] : memref<320000xi32, #tpu.memory_space<hbm>> -> memref<128xi32, #tpu.memory_space<hbm>>
    tpu.enqueue_dma source(%dma_start3A_22 : memref<128xi32, #tpu.memory_space<hbm>>) target(%arg8 : memref<128xi32, #tpu.memory_space<vmem>>) target_semaphore(%arg15 : memref<!tpu.dma_semaphore, #tpu.memory_space<semaphore_mem>>)
    %mul3A_23 = arith.constant 160000 : i32
    %mul3A_24 = arith.muli %arg0, %mul3A_23 : i32
    %mul3A_25 = arith.constant 128 : i32
    %mul3A_26 = arith.muli %arg1, %mul3A_25 : i32
    %add3A_27 = arith.addi %mul3A_24, %mul3A_26 : i32
    %dma_wait3A = tpu.memref_slice %arg3[%add3A_27] : memref<320000xi32, #tpu.memory_space<hbm>> -> memref<128xi32, #tpu.memory_space<hbm>>
    %dma_wait3A_28 = tpu.memref_slice %arg3[%add3A_27] : memref<320000xi32, #tpu.memory_space<hbm>> -> memref<128xi32, #tpu.memory_space<hbm>>
    tpu.wait_dma2 semaphore(%arg15 : memref<!tpu.dma_semaphore, #tpu.memory_space<semaphore_mem>>) src(%dma_wait3A_28 : memref<128xi32, #tpu.memory_space<hbm>>) dst(%arg7 : memref<128xi32, #tpu.memory_space<vmem>>)
    %dma_wait3A_29 = tpu.memref_slice %arg4[%add3A_27] : memref<320000xi32, #tpu.memory_space<hbm>> -> memref<128xi32, #tpu.memory_space<hbm>>
    %dma_wait3A_30 = tpu.memref_slice %arg4[%add3A_27] : memref<320000xi32, #tpu.memory_space<hbm>> -> memref<128xi32, #tpu.memory_space<hbm>>
    tpu.wait_dma2 semaphore(%arg15 : memref<!tpu.dma_semaphore, #tpu.memory_space<semaphore_mem>>) src(%dma_wait3A_30 : memref<128xi32, #tpu.memory_space<hbm>>) dst(%arg8 : memref<128xi32, #tpu.memory_space<vmem>>)
    %dma_start3A_31 = arith.constant 0 : i32
    %dma_start3A_32 = arith.constant 0 : i32
    %dma_start3A_33 = tpu.memref_slice %arg2[%dma_start3A_31, %dma_start3A_32] : memref<10000x144xf32, #tpu.memory_space<hbm>> -> memref<10000x144xf32, #tpu.memory_space<hbm>>
    tpu.enqueue_indirect_dma source(%dma_start3A_33 : memref<10000x144xf32, #tpu.memory_space<hbm>>) target(%arg11 : memref<128x144xf32, #tpu.memory_space<vmem>>) offsets(%arg7 : memref<128xi32, #tpu.memory_space<vmem>>) semaphore(%arg13 : memref<!tpu.dma_semaphore, #tpu.memory_space<semaphore_mem>>)
    %add3A_34 = arith.constant 16 : i32
    %add3A_35 = arith.addi %arg1, %add3A_34 : i32
    %mul3A_36 = arith.constant 160000 : i32
    %mul3A_37 = arith.muli %arg0, %mul3A_36 : i32
    %mul3A_38 = arith.constant 128 : i32
    %mul3A_39 = arith.muli %add3A_35, %mul3A_38 : i32
    %add3A_40 = arith.addi %mul3A_37, %mul3A_39 : i32
    %dma_start3A_41 = tpu.memref_slice %arg3[%add3A_40] : memref<320000xi32, #tpu.memory_space<hbm>> -> memref<128xi32, #tpu.memory_space<hbm>>
    %dma_start3A_42 = tpu.memref_slice %arg3[%add3A_40] : memref<320000xi32, #tpu.memory_space<hbm>> -> memref<128xi32, #tpu.memory_space<hbm>>
    tpu.enqueue_dma source(%dma_start3A_42 : memref<128xi32, #tpu.memory_space<hbm>>) target(%arg9 : memref<128xi32, #tpu.memory_space<vmem>>) target_semaphore(%arg16 : memref<!tpu.dma_semaphore, #tpu.memory_space<semaphore_mem>>)
    %dma_start3A_43 = tpu.memref_slice %arg4[%add3A_40] : memref<320000xi32, #tpu.memory_space<hbm>> -> memref<128xi32, #tpu.memory_space<hbm>>
    %dma_start3A_44 = tpu.memref_slice %arg4[%add3A_40] : memref<320000xi32, #tpu.memory_space<hbm>> -> memref<128xi32, #tpu.memory_space<hbm>>
    tpu.enqueue_dma source(%dma_start3A_44 : memref<128xi32, #tpu.memory_space<hbm>>) target(%arg10 : memref<128xi32, #tpu.memory_space<vmem>>) target_semaphore(%arg16 : memref<!tpu.dma_semaphore, #tpu.memory_space<semaphore_mem>>)
    %scan3A_45 = arith.constant 0 : i32
    %scan3A_46 = arith.constant 0 : i32
    %scan3A_47 = arith.constant 40 : i32
    %scan3A_48 = arith.addi %scan3A_46, %scan3A_47 : i32
    %scan3A_49 = arith.constant 1 : i32
    scf.for %scan3A_77 = %scan3A_46 to %scan3A_48 step %scan3A_49  : i32 {
      %mul3A_78 = arith.constant 2 : i32
      %mul3A_79 = arith.muli %mul3A_78, %scan3A_77 : i32
      %mul3A_80 = arith.constant 16 : i32
      %mul3A_81 = arith.muli %mul3A_79, %mul3A_80 : i32
      %add3A_82 = arith.addi %arg1, %mul3A_81 : i32
      %mul3A_83 = arith.constant 2 : i32
      %mul3A_84 = arith.muli %mul3A_83, %scan3A_77 : i32
      %add3A_85 = arith.constant 1 : i32
      %add3A_86 = arith.addi %mul3A_84, %add3A_85 : i32
      %mul3A_87 = arith.constant 16 : i32
      %mul3A_88 = arith.muli %add3A_86, %mul3A_87 : i32
      %add3A_89 = arith.addi %arg1, %mul3A_88 : i32
      %mul3A_90 = arith.constant 2 : i32
      %mul3A_91 = arith.muli %mul3A_90, %scan3A_77 : i32
      %add3A_92 = arith.constant 2 : i32
      %add3A_93 = arith.addi %mul3A_91, %add3A_92 : i32
      %mul3A_94 = arith.constant 16 : i32
      %mul3A_95 = arith.muli %add3A_93, %mul3A_94 : i32
      %add3A_96 = arith.addi %arg1, %mul3A_95 : i32
      %mul3A_97 = arith.constant 2 : i32
      %mul3A_98 = arith.muli %mul3A_97, %scan3A_77 : i32
      %add3A_99 = arith.constant 3 : i32
      %add3A_100 = arith.addi %mul3A_98, %add3A_99 : i32
      %mul3A_101 = arith.constant 16 : i32
      %mul3A_102 = arith.muli %add3A_100, %mul3A_101 : i32
      %add3A_103 = arith.addi %arg1, %mul3A_102 : i32
      %lt3A = arith.constant 1250 : i32
      %lt3A_104 = arith.cmpi slt, %add3A_82, %lt3A : i32
      %convert_element_type3A = arith.extui %lt3A_104 : i1 to i32
      %cond3A = arith.constant 0 : i32
      %cond3A_105 = arith.cmpi ne, %convert_element_type3A, %cond3A : i32
      scf.if %cond3A_105 {
        %dma_wait3A_141 = arith.constant 0 : i32
        %dma_wait3A_142 = arith.constant 0 : i32
        %dma_wait3A_143 = tpu.memref_slice %arg2[%dma_wait3A_141, %dma_wait3A_142] : memref<10000x144xf32, #tpu.memory_space<hbm>> -> memref<10000x144xf32, #tpu.memory_space<hbm>>
        tpu.wait_indirect_dma semaphore(%arg13 : memref<!tpu.dma_semaphore, #tpu.memory_space<semaphore_mem>>) src(%dma_wait3A_143 : memref<10000x144xf32, #tpu.memory_space<hbm>>) dst(%arg11 : memref<128x144xf32, #tpu.memory_space<vmem>>)
      } else {
      }
      %lt3A_106 = arith.constant 1250 : i32
      %lt3A_107 = arith.cmpi slt, %add3A_89, %lt3A_106 : i32
      %convert_element_type3A_108 = arith.extui %lt3A_107 : i1 to i32
      %cond3A_109 = arith.constant 0 : i32
      %cond3A_110 = arith.cmpi ne, %convert_element_type3A_108, %cond3A_109 : i32
      scf.if %cond3A_110 {
        %mul3A_141 = arith.constant 160000 : i32
        %mul3A_142 = arith.muli %arg0, %mul3A_141 : i32
        %mul3A_143 = arith.constant 128 : i32
        %mul3A_144 = arith.muli %add3A_89, %mul3A_143 : i32
        %add3A_145 = arith.addi %mul3A_142, %mul3A_144 : i32
        %dma_wait3A_146 = tpu.memref_slice %arg3[%add3A_145] : memref<320000xi32, #tpu.memory_space<hbm>> -> memref<128xi32, #tpu.memory_space<hbm>>
        %dma_wait3A_147 = tpu.memref_slice %arg3[%add3A_145] : memref<320000xi32, #tpu.memory_space<hbm>> -> memref<128xi32, #tpu.memory_space<hbm>>
        tpu.wait_dma2 semaphore(%arg16 : memref<!tpu.dma_semaphore, #tpu.memory_space<semaphore_mem>>) src(%dma_wait3A_147 : memref<128xi32, #tpu.memory_space<hbm>>) dst(%arg9 : memref<128xi32, #tpu.memory_space<vmem>>)
        %dma_wait3A_148 = tpu.memref_slice %arg4[%add3A_145] : memref<320000xi32, #tpu.memory_space<hbm>> -> memref<128xi32, #tpu.memory_space<hbm>>
        %dma_wait3A_149 = tpu.memref_slice %arg4[%add3A_145] : memref<320000xi32, #tpu.memory_space<hbm>> -> memref<128xi32, #tpu.memory_space<hbm>>
        tpu.wait_dma2 semaphore(%arg16 : memref<!tpu.dma_semaphore, #tpu.memory_space<semaphore_mem>>) src(%dma_wait3A_149 : memref<128xi32, #tpu.memory_space<hbm>>) dst(%arg10 : memref<128xi32, #tpu.memory_space<vmem>>)
        %dma_start3A_150 = arith.constant 0 : i32
        %dma_start3A_151 = arith.constant 0 : i32
        %dma_start3A_152 = tpu.memref_slice %arg2[%dma_start3A_150, %dma_start3A_151] : memref<10000x144xf32, #tpu.memory_space<hbm>> -> memref<10000x144xf32, #tpu.memory_space<hbm>>
        tpu.enqueue_indirect_dma source(%dma_start3A_152 : memref<10000x144xf32, #tpu.memory_space<hbm>>) target(%arg12 : memref<128x144xf32, #tpu.memory_space<vmem>>) offsets(%arg9 : memref<128xi32, #tpu.memory_space<vmem>>) semaphore(%arg14 : memref<!tpu.dma_semaphore, #tpu.memory_space<semaphore_mem>>)
      } else {
      }
      %lt3A_111 = arith.constant 1250 : i32
      %lt3A_112 = arith.cmpi slt, %add3A_82, %lt3A_111 : i32
      %convert_element_type3A_113 = arith.extui %lt3A_112 : i1 to i32
      %cond3A_114 = arith.constant 0 : i32
      %cond3A_115 = arith.cmpi ne, %convert_element_type3A_113, %cond3A_114 : i32
      scf.if %cond3A_115 {
        "tpu.region"() ({
          %run_scoped3A = tpu.sem_alloc : memref<!tpu.dma_semaphore, #tpu.memory_space<semaphore_mem>>
          %dma_start3A_141 = arith.constant 0 : i32
          %dma_start3A_142 = arith.constant 0 : i32
          %dma_start3A_143 = tpu.memref_slice %arg6[%dma_start3A_141, %dma_start3A_142] : memref<10240x144xf32, #tpu.memory_space<vmem_shared>> -> memref<10240x144xf32, #tpu.memory_space<vmem_shared>>
          tpu.enqueue_indirect_dma source(%arg11 : memref<128x144xf32, #tpu.memory_space<vmem>>) target(%dma_start3A_143 : memref<10240x144xf32, #tpu.memory_space<vmem_shared>>) offsets(%arg8 : memref<128xi32, #tpu.memory_space<vmem>>) semaphore(%run_scoped3A : memref<!tpu.dma_semaphore, #tpu.memory_space<semaphore_mem>>) {add = true}
          %dma_wait3A_144 = arith.constant 0 : i32
          %dma_wait3A_145 = arith.constant 0 : i32
          %dma_wait3A_146 = tpu.memref_slice %arg6[%dma_wait3A_144, %dma_wait3A_145] : memref<10240x144xf32, #tpu.memory_space<vmem_shared>> -> memref<10240x144xf32, #tpu.memory_space<vmem_shared>>
          tpu.wait_indirect_dma semaphore(%run_scoped3A : memref<!tpu.dma_semaphore, #tpu.memory_space<semaphore_mem>>) src(%arg11 : memref<128x144xf32, #tpu.memory_space<vmem>>) dst(%dma_wait3A_146 : memref<10240x144xf32, #tpu.memory_space<vmem_shared>>)
          tpu.yield
        }) : () -> ()
      } else {
      }
      %lt3A_116 = arith.constant 1250 : i32
      %lt3A_117 = arith.cmpi slt, %add3A_96, %lt3A_116 : i32
      %convert_element_type3A_118 = arith.extui %lt3A_117 : i1 to i32
      %cond3A_119 = arith.constant 0 : i32
      %cond3A_120 = arith.cmpi ne, %convert_element_type3A_118, %cond3A_119 : i32
      scf.if %cond3A_120 {
        %mul3A_141 = arith.constant 160000 : i32
        %mul3A_142 = arith.muli %arg0, %mul3A_141 : i32
        %mul3A_143 = arith.constant 128 : i32
        %mul3A_144 = arith.muli %add3A_96, %mul3A_143 : i32
        %add3A_145 = arith.addi %mul3A_142, %mul3A_144 : i32
        %dma_start3A_146 = tpu.memref_slice %arg3[%add3A_145] : memref<320000xi32, #tpu.memory_space<hbm>> -> memref<128xi32, #tpu.memory_space<hbm>>
        %dma_start3A_147 = tpu.memref_slice %arg3[%add3A_145] : memref<320000xi32, #tpu.memory_space<hbm>> -> memref<128xi32, #tpu.memory_space<hbm>>
        tpu.enqueue_dma source(%dma_start3A_147 : memref<128xi32, #tpu.memory_space<hbm>>) target(%arg7 : memref<128xi32, #tpu.memory_space<vmem>>) target_semaphore(%arg15 : memref<!tpu.dma_semaphore, #tpu.memory_space<semaphore_mem>>)
        %dma_start3A_148 = tpu.memref_slice %arg4[%add3A_145] : memref<320000xi32, #tpu.memory_space<hbm>> -> memref<128xi32, #tpu.memory_space<hbm>>
        %dma_start3A_149 = tpu.memref_slice %arg4[%add3A_145] : memref<320000xi32, #tpu.memory_space<hbm>> -> memref<128xi32, #tpu.memory_space<hbm>>
        tpu.enqueue_dma source(%dma_start3A_149 : memref<128xi32, #tpu.memory_space<hbm>>) target(%arg8 : memref<128xi32, #tpu.memory_space<vmem>>) target_semaphore(%arg15 : memref<!tpu.dma_semaphore, #tpu.memory_space<semaphore_mem>>)
      } else {
      }
      %lt3A_121 = arith.constant 1250 : i32
      %lt3A_122 = arith.cmpi slt, %add3A_89, %lt3A_121 : i32
      %convert_element_type3A_123 = arith.extui %lt3A_122 : i1 to i32
      %cond3A_124 = arith.constant 0 : i32
      %cond3A_125 = arith.cmpi ne, %convert_element_type3A_123, %cond3A_124 : i32
      scf.if %cond3A_125 {
        %dma_wait3A_141 = arith.constant 0 : i32
        %dma_wait3A_142 = arith.constant 0 : i32
        %dma_wait3A_143 = tpu.memref_slice %arg2[%dma_wait3A_141, %dma_wait3A_142] : memref<10000x144xf32, #tpu.memory_space<hbm>> -> memref<10000x144xf32, #tpu.memory_space<hbm>>
        tpu.wait_indirect_dma semaphore(%arg14 : memref<!tpu.dma_semaphore, #tpu.memory_space<semaphore_mem>>) src(%dma_wait3A_143 : memref<10000x144xf32, #tpu.memory_space<hbm>>) dst(%arg12 : memref<128x144xf32, #tpu.memory_space<vmem>>)
      } else {
      }
      %lt3A_126 = arith.constant 1250 : i32
      %lt3A_127 = arith.cmpi slt, %add3A_96, %lt3A_126 : i32
      %convert_element_type3A_128 = arith.extui %lt3A_127 : i1 to i32
      %cond3A_129 = arith.constant 0 : i32
      %cond3A_130 = arith.cmpi ne, %convert_element_type3A_128, %cond3A_129 : i32
      scf.if %cond3A_130 {
        %mul3A_141 = arith.constant 160000 : i32
        %mul3A_142 = arith.muli %arg0, %mul3A_141 : i32
        %mul3A_143 = arith.constant 128 : i32
        %mul3A_144 = arith.muli %add3A_96, %mul3A_143 : i32
        %add3A_145 = arith.addi %mul3A_142, %mul3A_144 : i32
        %dma_wait3A_146 = tpu.memref_slice %arg3[%add3A_145] : memref<320000xi32, #tpu.memory_space<hbm>> -> memref<128xi32, #tpu.memory_space<hbm>>
        %dma_wait3A_147 = tpu.memref_slice %arg3[%add3A_145] : memref<320000xi32, #tpu.memory_space<hbm>> -> memref<128xi32, #tpu.memory_space<hbm>>
        tpu.wait_dma2 semaphore(%arg15 : memref<!tpu.dma_semaphore, #tpu.memory_space<semaphore_mem>>) src(%dma_wait3A_147 : memref<128xi32, #tpu.memory_space<hbm>>) dst(%arg7 : memref<128xi32, #tpu.memory_space<vmem>>)
        %dma_wait3A_148 = tpu.memref_slice %arg4[%add3A_145] : memref<320000xi32, #tpu.memory_space<hbm>> -> memref<128xi32, #tpu.memory_space<hbm>>
        %dma_wait3A_149 = tpu.memref_slice %arg4[%add3A_145] : memref<320000xi32, #tpu.memory_space<hbm>> -> memref<128xi32, #tpu.memory_space<hbm>>
        tpu.wait_dma2 semaphore(%arg15 : memref<!tpu.dma_semaphore, #tpu.memory_space<semaphore_mem>>) src(%dma_wait3A_149 : memref<128xi32, #tpu.memory_space<hbm>>) dst(%arg8 : memref<128xi32, #tpu.memory_space<vmem>>)
        %dma_start3A_150 = arith.constant 0 : i32
        %dma_start3A_151 = arith.constant 0 : i32
        %dma_start3A_152 = tpu.memref_slice %arg2[%dma_start3A_150, %dma_start3A_151] : memref<10000x144xf32, #tpu.memory_space<hbm>> -> memref<10000x144xf32, #tpu.memory_space<hbm>>
        tpu.enqueue_indirect_dma source(%dma_start3A_152 : memref<10000x144xf32, #tpu.memory_space<hbm>>) target(%arg11 : memref<128x144xf32, #tpu.memory_space<vmem>>) offsets(%arg7 : memref<128xi32, #tpu.memory_space<vmem>>) semaphore(%arg13 : memref<!tpu.dma_semaphore, #tpu.memory_space<semaphore_mem>>)
      } else {
      }
      %lt3A_131 = arith.constant 1250 : i32
      %lt3A_132 = arith.cmpi slt, %add3A_89, %lt3A_131 : i32
      %convert_element_type3A_133 = arith.extui %lt3A_132 : i1 to i32
      %cond3A_134 = arith.constant 0 : i32
      %cond3A_135 = arith.cmpi ne, %convert_element_type3A_133, %cond3A_134 : i32
      scf.if %cond3A_135 {
        "tpu.region"() ({
          %run_scoped3A = tpu.sem_alloc : memref<!tpu.dma_semaphore, #tpu.memory_space<semaphore_mem>>
          %dma_start3A_141 = arith.constant 0 : i32
          %dma_start3A_142 = arith.constant 0 : i32
          %dma_start3A_143 = tpu.memref_slice %arg6[%dma_start3A_141, %dma_start3A_142] : memref<10240x144xf32, #tpu.memory_space<vmem_shared>> -> memref<10240x144xf32, #tpu.memory_space<vmem_shared>>
          tpu.enqueue_indirect_dma source(%arg12 : memref<128x144xf32, #tpu.memory_space<vmem>>) target(%dma_start3A_143 : memref<10240x144xf32, #tpu.memory_space<vmem_shared>>) offsets(%arg10 : memref<128xi32, #tpu.memory_space<vmem>>) semaphore(%run_scoped3A : memref<!tpu.dma_semaphore, #tpu.memory_space<semaphore_mem>>) {add = true}
          %dma_wait3A_144 = arith.constant 0 : i32
          %dma_wait3A_145 = arith.constant 0 : i32
          %dma_wait3A_146 = tpu.memref_slice %arg6[%dma_wait3A_144, %dma_wait3A_145] : memref<10240x144xf32, #tpu.memory_space<vmem_shared>> -> memref<10240x144xf32, #tpu.memory_space<vmem_shared>>
          tpu.wait_indirect_dma semaphore(%run_scoped3A : memref<!tpu.dma_semaphore, #tpu.memory_space<semaphore_mem>>) src(%arg12 : memref<128x144xf32, #tpu.memory_space<vmem>>) dst(%dma_wait3A_146 : memref<10240x144xf32, #tpu.memory_space<vmem_shared>>)
          tpu.yield
        }) : () -> ()
      } else {
      }
      %lt3A_136 = arith.constant 1250 : i32
      %lt3A_137 = arith.cmpi slt, %add3A_103, %lt3A_136 : i32
      %convert_element_type3A_138 = arith.extui %lt3A_137 : i1 to i32
      %cond3A_139 = arith.constant 0 : i32
      %cond3A_140 = arith.cmpi ne, %convert_element_type3A_138, %cond3A_139 : i32
      scf.if %cond3A_140 {
        %mul3A_141 = arith.constant 160000 : i32
        %mul3A_142 = arith.muli %arg0, %mul3A_141 : i32
        %mul3A_143 = arith.constant 128 : i32
        %mul3A_144 = arith.muli %add3A_103, %mul3A_143 : i32
        %add3A_145 = arith.addi %mul3A_142, %mul3A_144 : i32
        %dma_start3A_146 = tpu.memref_slice %arg3[%add3A_145] : memref<320000xi32, #tpu.memory_space<hbm>> -> memref<128xi32, #tpu.memory_space<hbm>>
        %dma_start3A_147 = tpu.memref_slice %arg3[%add3A_145] : memref<320000xi32, #tpu.memory_space<hbm>> -> memref<128xi32, #tpu.memory_space<hbm>>
        tpu.enqueue_dma source(%dma_start3A_147 : memref<128xi32, #tpu.memory_space<hbm>>) target(%arg9 : memref<128xi32, #tpu.memory_space<vmem>>) target_semaphore(%arg16 : memref<!tpu.dma_semaphore, #tpu.memory_space<semaphore_mem>>)
        %dma_start3A_148 = tpu.memref_slice %arg4[%add3A_145] : memref<320000xi32, #tpu.memory_space<hbm>> -> memref<128xi32, #tpu.memory_space<hbm>>
        %dma_start3A_149 = tpu.memref_slice %arg4[%add3A_145] : memref<320000xi32, #tpu.memory_space<hbm>> -> memref<128xi32, #tpu.memory_space<hbm>>
        tpu.enqueue_dma source(%dma_start3A_149 : memref<128xi32, #tpu.memory_space<hbm>>) target(%arg10 : memref<128xi32, #tpu.memory_space<vmem>>) target_semaphore(%arg16 : memref<!tpu.dma_semaphore, #tpu.memory_space<semaphore_mem>>)
      } else {
      }
    }
    %scan3A_50 = arith.constant 40 : i32
    %barrier3A_51 = arith.constant 0 : index
    tpu.barrier barrier_id(%barrier3A_51)
    %add3A_52 = arith.constant 0 : i32
    %add3A_53 = arith.addi %mul3A_5, %add3A_52 : i32
    "tpu.region"() ({
      %run_scoped3A = tpu.sem_alloc : memref<!tpu.dma_semaphore, #tpu.memory_space<semaphore_mem>>
      %dma_start3A_77 = arith.constant 0 : i32
      %dma_start3A_78 = tpu.memref_slice %arg6[%add3A_53, %dma_start3A_77] : memref<10240x144xf32, #tpu.memory_space<vmem_shared>> -> memref<128x144xf32, #tpu.memory_space<vmem_shared>>
      %dma_start3A_79 = arith.constant 0 : i32
      %dma_start3A_80 = tpu.memref_slice %arg6[%add3A_53, %dma_start3A_79] : memref<10240x144xf32, #tpu.memory_space<vmem_shared>> -> memref<128x144xf32, #tpu.memory_space<vmem_shared>>
      tpu.enqueue_dma source(%dma_start3A_80 : memref<128x144xf32, #tpu.memory_space<vmem_shared>>) target(%arg12 : memref<128x144xf32, #tpu.memory_space<vmem>>) target_semaphore(%run_scoped3A : memref<!tpu.dma_semaphore, #tpu.memory_space<semaphore_mem>>)
      %dma_wait3A_81 = arith.constant 0 : i32
      %dma_wait3A_82 = tpu.memref_slice %arg6[%add3A_53, %dma_wait3A_81] : memref<10240x144xf32, #tpu.memory_space<vmem_shared>> -> memref<128x144xf32, #tpu.memory_space<vmem_shared>>
      %dma_wait3A_83 = arith.constant 0 : i32
      %dma_wait3A_84 = tpu.memref_slice %arg6[%add3A_53, %dma_wait3A_83] : memref<10240x144xf32, #tpu.memory_space<vmem_shared>> -> memref<128x144xf32, #tpu.memory_space<vmem_shared>>
      tpu.wait_dma2 semaphore(%run_scoped3A : memref<!tpu.dma_semaphore, #tpu.memory_space<semaphore_mem>>) src(%dma_wait3A_84 : memref<128x144xf32, #tpu.memory_space<vmem_shared>>) dst(%arg12 : memref<128x144xf32, #tpu.memory_space<vmem>>)
      tpu.yield
    }) : () -> ()
    %mul3A_54 = arith.constant 10240 : i32
    %mul3A_55 = arith.muli %arg0, %mul3A_54 : i32
    %add3A_56 = arith.addi %mul3A_55, %add3A_53 : i32
    "tpu.region"() ({
      %run_scoped3A = tpu.sem_alloc : memref<!tpu.dma_semaphore, #tpu.memory_space<semaphore_mem>>
      %dma_start3A_77 = arith.constant 0 : i32
      %dma_start3A_78 = tpu.memref_slice %arg5[%add3A_56, %dma_start3A_77] : memref<20480x144xf32, #tpu.memory_space<hbm>> -> memref<128x144xf32, #tpu.memory_space<hbm>>
      %dma_start3A_79 = arith.constant 0 : i32
      %dma_start3A_80 = tpu.memref_slice %arg5[%add3A_56, %dma_start3A_79] : memref<20480x144xf32, #tpu.memory_space<hbm>> -> memref<128x144xf32, #tpu.memory_space<hbm>>
      tpu.enqueue_dma source(%arg12 : memref<128x144xf32, #tpu.memory_space<vmem>>) target(%dma_start3A_80 : memref<128x144xf32, #tpu.memory_space<hbm>>) target_semaphore(%run_scoped3A : memref<!tpu.dma_semaphore, #tpu.memory_space<semaphore_mem>>)
      %dma_wait3A_81 = arith.constant 0 : i32
      %dma_wait3A_82 = tpu.memref_slice %arg5[%add3A_56, %dma_wait3A_81] : memref<20480x144xf32, #tpu.memory_space<hbm>> -> memref<128x144xf32, #tpu.memory_space<hbm>>
      %dma_wait3A_83 = arith.constant 0 : i32
      %dma_wait3A_84 = tpu.memref_slice %arg5[%add3A_56, %dma_wait3A_83] : memref<20480x144xf32, #tpu.memory_space<hbm>> -> memref<128x144xf32, #tpu.memory_space<hbm>>
      tpu.wait_dma2 semaphore(%run_scoped3A : memref<!tpu.dma_semaphore, #tpu.memory_space<semaphore_mem>>) src(%arg12 : memref<128x144xf32, #tpu.memory_space<vmem>>) dst(%dma_wait3A_84 : memref<128x144xf32, #tpu.memory_space<hbm>>)
      tpu.yield
    }) : () -> ()
    %add3A_57 = arith.constant 128 : i32
    %add3A_58 = arith.addi %mul3A_5, %add3A_57 : i32
    "tpu.region"() ({
      %run_scoped3A = tpu.sem_alloc : memref<!tpu.dma_semaphore, #tpu.memory_space<semaphore_mem>>
      %dma_start3A_77 = arith.constant 0 : i32
      %dma_start3A_78 = tpu.memref_slice %arg6[%add3A_58, %dma_start3A_77] : memref<10240x144xf32, #tpu.memory_space<vmem_shared>> -> memref<128x144xf32, #tpu.memory_space<vmem_shared>>
      %dma_start3A_79 = arith.constant 0 : i32
      %dma_start3A_80 = tpu.memref_slice %arg6[%add3A_58, %dma_start3A_79] : memref<10240x144xf32, #tpu.memory_space<vmem_shared>> -> memref<128x144xf32, #tpu.memory_space<vmem_shared>>
      tpu.enqueue_dma source(%dma_start3A_80 : memref<128x144xf32, #tpu.memory_space<vmem_shared>>) target(%arg12 : memref<128x144xf32, #tpu.memory_space<vmem>>) target_semaphore(%run_scoped3A : memref<!tpu.dma_semaphore, #tpu.memory_space<semaphore_mem>>)
      %dma_wait3A_81 = arith.constant 0 : i32
      %dma_wait3A_82 = tpu.memref_slice %arg6[%add3A_58, %dma_wait3A_81] : memref<10240x144xf32, #tpu.memory_space<vmem_shared>> -> memref<128x144xf32, #tpu.memory_space<vmem_shared>>
      %dma_wait3A_83 = arith.constant 0 : i32
      %dma_wait3A_84 = tpu.memref_slice %arg6[%add3A_58, %dma_wait3A_83] : memref<10240x144xf32, #tpu.memory_space<vmem_shared>> -> memref<128x144xf32, #tpu.memory_space<vmem_shared>>
      tpu.wait_dma2 semaphore(%run_scoped3A : memref<!tpu.dma_semaphore, #tpu.memory_space<semaphore_mem>>) src(%dma_wait3A_84 : memref<128x144xf32, #tpu.memory_space<vmem_shared>>) dst(%arg12 : memref<128x144xf32, #tpu.memory_space<vmem>>)
      tpu.yield
    }) : () -> ()
    %mul3A_59 = arith.constant 10240 : i32
    %mul3A_60 = arith.muli %arg0, %mul3A_59 : i32
    %add3A_61 = arith.addi %mul3A_60, %add3A_58 : i32
    "tpu.region"() ({
      %run_scoped3A = tpu.sem_alloc : memref<!tpu.dma_semaphore, #tpu.memory_space<semaphore_mem>>
      %dma_start3A_77 = arith.constant 0 : i32
      %dma_start3A_78 = tpu.memref_slice %arg5[%add3A_61, %dma_start3A_77] : memref<20480x144xf32, #tpu.memory_space<hbm>> -> memref<128x144xf32, #tpu.memory_space<hbm>>
      %dma_start3A_79 = arith.constant 0 : i32
      %dma_start3A_80 = tpu.memref_slice %arg5[%add3A_61, %dma_start3A_79] : memref<20480x144xf32, #tpu.memory_space<hbm>> -> memref<128x144xf32, #tpu.memory_space<hbm>>
      tpu.enqueue_dma source(%arg12 : memref<128x144xf32, #tpu.memory_space<vmem>>) target(%dma_start3A_80 : memref<128x144xf32, #tpu.memory_space<hbm>>) target_semaphore(%run_scoped3A : memref<!tpu.dma_semaphore, #tpu.memory_space<semaphore_mem>>)
      %dma_wait3A_81 = arith.constant 0 : i32
      %dma_wait3A_82 = tpu.memref_slice %arg5[%add3A_61, %dma_wait3A_81] : memref<20480x144xf32, #tpu.memory_space<hbm>> -> memref<128x144xf32, #tpu.memory_space<hbm>>
      %dma_wait3A_83 = arith.constant 0 : i32
      %dma_wait3A_84 = tpu.memref_slice %arg5[%add3A_61, %dma_wait3A_83] : memref<20480x144xf32, #tpu.memory_space<hbm>> -> memref<128x144xf32, #tpu.memory_space<hbm>>
      tpu.wait_dma2 semaphore(%run_scoped3A : memref<!tpu.dma_semaphore, #tpu.memory_space<semaphore_mem>>) src(%arg12 : memref<128x144xf32, #tpu.memory_space<vmem>>) dst(%dma_wait3A_84 : memref<128x144xf32, #tpu.memory_space<hbm>>)
      tpu.yield
    }) : () -> ()
    %add3A_62 = arith.constant 256 : i32
    %add3A_63 = arith.addi %mul3A_5, %add3A_62 : i32
    "tpu.region"() ({
      %run_scoped3A = tpu.sem_alloc : memref<!tpu.dma_semaphore, #tpu.memory_space<semaphore_mem>>
      %dma_start3A_77 = arith.constant 0 : i32
      %dma_start3A_78 = tpu.memref_slice %arg6[%add3A_63, %dma_start3A_77] : memref<10240x144xf32, #tpu.memory_space<vmem_shared>> -> memref<128x144xf32, #tpu.memory_space<vmem_shared>>
      %dma_start3A_79 = arith.constant 0 : i32
      %dma_start3A_80 = tpu.memref_slice %arg6[%add3A_63, %dma_start3A_79] : memref<10240x144xf32, #tpu.memory_space<vmem_shared>> -> memref<128x144xf32, #tpu.memory_space<vmem_shared>>
      tpu.enqueue_dma source(%dma_start3A_80 : memref<128x144xf32, #tpu.memory_space<vmem_shared>>) target(%arg12 : memref<128x144xf32, #tpu.memory_space<vmem>>) target_semaphore(%run_scoped3A : memref<!tpu.dma_semaphore, #tpu.memory_space<semaphore_mem>>)
      %dma_wait3A_81 = arith.constant 0 : i32
      %dma_wait3A_82 = tpu.memref_slice %arg6[%add3A_63, %dma_wait3A_81] : memref<10240x144xf32, #tpu.memory_space<vmem_shared>> -> memref<128x144xf32, #tpu.memory_space<vmem_shared>>
      %dma_wait3A_83 = arith.constant 0 : i32
      %dma_wait3A_84 = tpu.memref_slice %arg6[%add3A_63, %dma_wait3A_83] : memref<10240x144xf32, #tpu.memory_space<vmem_shared>> -> memref<128x144xf32, #tpu.memory_space<vmem_shared>>
      tpu.wait_dma2 semaphore(%run_scoped3A : memref<!tpu.dma_semaphore, #tpu.memory_space<semaphore_mem>>) src(%dma_wait3A_84 : memref<128x144xf32, #tpu.memory_space<vmem_shared>>) dst(%arg12 : memref<128x144xf32, #tpu.memory_space<vmem>>)
      tpu.yield
    }) : () -> ()
    %mul3A_64 = arith.constant 10240 : i32
    %mul3A_65 = arith.muli %arg0, %mul3A_64 : i32
    %add3A_66 = arith.addi %mul3A_65, %add3A_63 : i32
    "tpu.region"() ({
      %run_scoped3A = tpu.sem_alloc : memref<!tpu.dma_semaphore, #tpu.memory_space<semaphore_mem>>
      %dma_start3A_77 = arith.constant 0 : i32
      %dma_start3A_78 = tpu.memref_slice %arg5[%add3A_66, %dma_start3A_77] : memref<20480x144xf32, #tpu.memory_space<hbm>> -> memref<128x144xf32, #tpu.memory_space<hbm>>
      %dma_start3A_79 = arith.constant 0 : i32
      %dma_start3A_80 = tpu.memref_slice %arg5[%add3A_66, %dma_start3A_79] : memref<20480x144xf32, #tpu.memory_space<hbm>> -> memref<128x144xf32, #tpu.memory_space<hbm>>
      tpu.enqueue_dma source(%arg12 : memref<128x144xf32, #tpu.memory_space<vmem>>) target(%dma_start3A_80 : memref<128x144xf32, #tpu.memory_space<hbm>>) target_semaphore(%run_scoped3A : memref<!tpu.dma_semaphore, #tpu.memory_space<semaphore_mem>>)
      %dma_wait3A_81 = arith.constant 0 : i32
      %dma_wait3A_82 = tpu.memref_slice %arg5[%add3A_66, %dma_wait3A_81] : memref<20480x144xf32, #tpu.memory_space<hbm>> -> memref<128x144xf32, #tpu.memory_space<hbm>>
      %dma_wait3A_83 = arith.constant 0 : i32
      %dma_wait3A_84 = tpu.memref_slice %arg5[%add3A_66, %dma_wait3A_83] : memref<20480x144xf32, #tpu.memory_space<hbm>> -> memref<128x144xf32, #tpu.memory_space<hbm>>
      tpu.wait_dma2 semaphore(%run_scoped3A : memref<!tpu.dma_semaphore, #tpu.memory_space<semaphore_mem>>) src(%arg12 : memref<128x144xf32, #tpu.memory_space<vmem>>) dst(%dma_wait3A_84 : memref<128x144xf32, #tpu.memory_space<hbm>>)
      tpu.yield
    }) : () -> ()
    %add3A_67 = arith.constant 384 : i32
    %add3A_68 = arith.addi %mul3A_5, %add3A_67 : i32
    "tpu.region"() ({
      %run_scoped3A = tpu.sem_alloc : memref<!tpu.dma_semaphore, #tpu.memory_space<semaphore_mem>>
      %dma_start3A_77 = arith.constant 0 : i32
      %dma_start3A_78 = tpu.memref_slice %arg6[%add3A_68, %dma_start3A_77] : memref<10240x144xf32, #tpu.memory_space<vmem_shared>> -> memref<128x144xf32, #tpu.memory_space<vmem_shared>>
      %dma_start3A_79 = arith.constant 0 : i32
      %dma_start3A_80 = tpu.memref_slice %arg6[%add3A_68, %dma_start3A_79] : memref<10240x144xf32, #tpu.memory_space<vmem_shared>> -> memref<128x144xf32, #tpu.memory_space<vmem_shared>>
      tpu.enqueue_dma source(%dma_start3A_80 : memref<128x144xf32, #tpu.memory_space<vmem_shared>>) target(%arg12 : memref<128x144xf32, #tpu.memory_space<vmem>>) target_semaphore(%run_scoped3A : memref<!tpu.dma_semaphore, #tpu.memory_space<semaphore_mem>>)
      %dma_wait3A_81 = arith.constant 0 : i32
      %dma_wait3A_82 = tpu.memref_slice %arg6[%add3A_68, %dma_wait3A_81] : memref<10240x144xf32, #tpu.memory_space<vmem_shared>> -> memref<128x144xf32, #tpu.memory_space<vmem_shared>>
      %dma_wait3A_83 = arith.constant 0 : i32
      %dma_wait3A_84 = tpu.memref_slice %arg6[%add3A_68, %dma_wait3A_83] : memref<10240x144xf32, #tpu.memory_space<vmem_shared>> -> memref<128x144xf32, #tpu.memory_space<vmem_shared>>
      tpu.wait_dma2 semaphore(%run_scoped3A : memref<!tpu.dma_semaphore, #tpu.memory_space<semaphore_mem>>) src(%dma_wait3A_84 : memref<128x144xf32, #tpu.memory_space<vmem_shared>>) dst(%arg12 : memref<128x144xf32, #tpu.memory_space<vmem>>)
      tpu.yield
    }) : () -> ()
    %mul3A_69 = arith.constant 10240 : i32
    %mul3A_70 = arith.muli %arg0, %mul3A_69 : i32
    %add3A_71 = arith.addi %mul3A_70, %add3A_68 : i32
    "tpu.region"() ({
      %run_scoped3A = tpu.sem_alloc : memref<!tpu.dma_semaphore, #tpu.memory_space<semaphore_mem>>
      %dma_start3A_77 = arith.constant 0 : i32
      %dma_start3A_78 = tpu.memref_slice %arg5[%add3A_71, %dma_start3A_77] : memref<20480x144xf32, #tpu.memory_space<hbm>> -> memref<128x144xf32, #tpu.memory_space<hbm>>
      %dma_start3A_79 = arith.constant 0 : i32
      %dma_start3A_80 = tpu.memref_slice %arg5[%add3A_71, %dma_start3A_79] : memref<20480x144xf32, #tpu.memory_space<hbm>> -> memref<128x144xf32, #tpu.memory_space<hbm>>
      tpu.enqueue_dma source(%arg12 : memref<128x144xf32, #tpu.memory_space<vmem>>) target(%dma_start3A_80 : memref<128x144xf32, #tpu.memory_space<hbm>>) target_semaphore(%run_scoped3A : memref<!tpu.dma_semaphore, #tpu.memory_space<semaphore_mem>>)
      %dma_wait3A_81 = arith.constant 0 : i32
      %dma_wait3A_82 = tpu.memref_slice %arg5[%add3A_71, %dma_wait3A_81] : memref<20480x144xf32, #tpu.memory_space<hbm>> -> memref<128x144xf32, #tpu.memory_space<hbm>>
      %dma_wait3A_83 = arith.constant 0 : i32
      %dma_wait3A_84 = tpu.memref_slice %arg5[%add3A_71, %dma_wait3A_83] : memref<20480x144xf32, #tpu.memory_space<hbm>> -> memref<128x144xf32, #tpu.memory_space<hbm>>
      tpu.wait_dma2 semaphore(%run_scoped3A : memref<!tpu.dma_semaphore, #tpu.memory_space<semaphore_mem>>) src(%arg12 : memref<128x144xf32, #tpu.memory_space<vmem>>) dst(%dma_wait3A_84 : memref<128x144xf32, #tpu.memory_space<hbm>>)
      tpu.yield
    }) : () -> ()
    %add3A_72 = arith.constant 512 : i32
    %add3A_73 = arith.addi %mul3A_5, %add3A_72 : i32
    "tpu.region"() ({
      %run_scoped3A = tpu.sem_alloc : memref<!tpu.dma_semaphore, #tpu.memory_space<semaphore_mem>>
      %dma_start3A_77 = arith.constant 0 : i32
      %dma_start3A_78 = tpu.memref_slice %arg6[%add3A_73, %dma_start3A_77] : memref<10240x144xf32, #tpu.memory_space<vmem_shared>> -> memref<128x144xf32, #tpu.memory_space<vmem_shared>>
      %dma_start3A_79 = arith.constant 0 : i32
      %dma_start3A_80 = tpu.memref_slice %arg6[%add3A_73, %dma_start3A_79] : memref<10240x144xf32, #tpu.memory_space<vmem_shared>> -> memref<128x144xf32, #tpu.memory_space<vmem_shared>>
      tpu.enqueue_dma source(%dma_start3A_80 : memref<128x144xf32, #tpu.memory_space<vmem_shared>>) target(%arg12 : memref<128x144xf32, #tpu.memory_space<vmem>>) target_semaphore(%run_scoped3A : memref<!tpu.dma_semaphore, #tpu.memory_space<semaphore_mem>>)
      %dma_wait3A_81 = arith.constant 0 : i32
      %dma_wait3A_82 = tpu.memref_slice %arg6[%add3A_73, %dma_wait3A_81] : memref<10240x144xf32, #tpu.memory_space<vmem_shared>> -> memref<128x144xf32, #tpu.memory_space<vmem_shared>>
      %dma_wait3A_83 = arith.constant 0 : i32
      %dma_wait3A_84 = tpu.memref_slice %arg6[%add3A_73, %dma_wait3A_83] : memref<10240x144xf32, #tpu.memory_space<vmem_shared>> -> memref<128x144xf32, #tpu.memory_space<vmem_shared>>
      tpu.wait_dma2 semaphore(%run_scoped3A : memref<!tpu.dma_semaphore, #tpu.memory_space<semaphore_mem>>) src(%dma_wait3A_84 : memref<128x144xf32, #tpu.memory_space<vmem_shared>>) dst(%arg12 : memref<128x144xf32, #tpu.memory_space<vmem>>)
      tpu.yield
    }) : () -> ()
    %mul3A_74 = arith.constant 10240 : i32
    %mul3A_75 = arith.muli %arg0, %mul3A_74 : i32
    %add3A_76 = arith.addi %mul3A_75, %add3A_73 : i32
    "tpu.region"() ({
      %run_scoped3A = tpu.sem_alloc : memref<!tpu.dma_semaphore, #tpu.memory_space<semaphore_mem>>
      %dma_start3A_77 = arith.constant 0 : i32
      %dma_start3A_78 = tpu.memref_slice %arg5[%add3A_76, %dma_start3A_77] : memref<20480x144xf32, #tpu.memory_space<hbm>> -> memref<128x144xf32, #tpu.memory_space<hbm>>
      %dma_start3A_79 = arith.constant 0 : i32
      %dma_start3A_80 = tpu.memref_slice %arg5[%add3A_76, %dma_start3A_79] : memref<20480x144xf32, #tpu.memory_space<hbm>> -> memref<128x144xf32, #tpu.memory_space<hbm>>
      tpu.enqueue_dma source(%arg12 : memref<128x144xf32, #tpu.memory_space<vmem>>) target(%dma_start3A_80 : memref<128x144xf32, #tpu.memory_space<hbm>>) target_semaphore(%run_scoped3A : memref<!tpu.dma_semaphore, #tpu.memory_space<semaphore_mem>>)
      %dma_wait3A_81 = arith.constant 0 : i32
      %dma_wait3A_82 = tpu.memref_slice %arg5[%add3A_76, %dma_wait3A_81] : memref<20480x144xf32, #tpu.memory_space<hbm>> -> memref<128x144xf32, #tpu.memory_space<hbm>>
      %dma_wait3A_83 = arith.constant 0 : i32
      %dma_wait3A_84 = tpu.memref_slice %arg5[%add3A_76, %dma_wait3A_83] : memref<20480x144xf32, #tpu.memory_space<hbm>> -> memref<128x144xf32, #tpu.memory_space<hbm>>
      tpu.wait_dma2 semaphore(%run_scoped3A : memref<!tpu.dma_semaphore, #tpu.memory_space<semaphore_mem>>) src(%arg12 : memref<128x144xf32, #tpu.memory_space<vmem>>) dst(%dma_wait3A_84 : memref<128x144xf32, #tpu.memory_space<hbm>>)
      tpu.yield
    }) : () -> ()
    return
  }
}

module attributes {stable_mosaic.version = 14 : i64} {
  func.func @_pre_body(%arg0: i32, %arg1: memref<1000x128xf32, #tpu.memory_space<vmem>>, %arg2: memref<128x256xf32, #tpu.memory_space<vmem>>, %arg3: memref<1x256xf32, #tpu.memory_space<vmem>>, %arg4: memref<1000x256xf32, #tpu.memory_space<vmem>>) attributes {dimension_semantics = [#tpu.dimension_semantics<arbitrary>], iteration_bounds = array<i64: 10>, scalar_prefetch = 0 : i64, scratch_operands = 0 : i64, tpu.core_type = #tpu.core_type<tc>, window_params = [{transform_indices = @transform_0, window_bounds = array<i64: 1000, 128>}, {pipeline_mode = #tpu.pipeline_mode<synchronous>, transform_indices = @transform_1, window_bounds = array<i64: 128, 256>}, {pipeline_mode = #tpu.pipeline_mode<synchronous>, transform_indices = @transform_2, window_bounds = array<i64: 1, 256>}, {transform_indices = @transform_3, window_bounds = array<i64: 1000, 256>}]} {
    %get3A = arith.constant 0 : index
    %get3A_0 = arith.constant 0 : index
    %get3A_1 = vector.load %arg1[%get3A, %get3A_0] : memref<1000x128xf32, #tpu.memory_space<vmem>>, vector<1000x128xf32>
    %get3A_2 = arith.constant 0 : index
    %get3A_3 = arith.constant 0 : index
    %get3A_4 = vector.load %arg2[%get3A_2, %get3A_3] : memref<128x256xf32, #tpu.memory_space<vmem>>, vector<128x256xf32>
    %dot_general3A = arith.constant dense<0.000000e+00> : vector<1000x256xf32>
    %dot_general3A_5 = tpu.matmul %get3A_1, %get3A_4, %dot_general3A {dimension_numbers = #tpu.dot_dimension_numbers<[1], [0], [0], [1], [0, 0, 1, 1], [], []>, transpose_lhs_hint = false} : vector<1000x128xf32>, vector<128x256xf32>, vector<1000x256xf32> -> vector<1000x256xf32>
    %get3A_6 = arith.constant 0 : index
    %get3A_7 = arith.constant 0 : index
    %get3A_8 = vector.load %arg3[%get3A_6, %get3A_7] : memref<1x256xf32, #tpu.memory_space<vmem>>, vector<1x256xf32>
    %add3A = vector.broadcast %get3A_8 : vector<1x256xf32> to vector<1000x256xf32>
    %add3A_9 = arith.addf %dot_general3A_5, %add3A : vector<1000x256xf32>
    %swap3A = arith.constant 0 : index
    %swap3A_10 = arith.constant 0 : index
    %swap3A_11 = vector.load %arg4[%swap3A, %swap3A_10] : memref<1000x256xf32, #tpu.memory_space<vmem>>, vector<1000x256xf32>
    tpu.vector_store %arg4[%swap3A, %swap3A_10], %add3A_9 {strides = array<i32>} : memref<1000x256xf32, #tpu.memory_space<vmem>>, vector<1000x256xf32>,
    return
  }
  func.func @transform_0(%arg0: i32) -> (i32, i32) {
    %c0_i32 = arith.constant 0 : i32
    %c0_i32_0 = arith.constant 0 : i32
    return %arg0, %c0_i32 : i32, i32
  }
  func.func @transform_1(%arg0: i32) -> (i32, i32) {
    %c0_i32 = arith.constant 0 : i32
    %c0_i32_0 = arith.constant 0 : i32
    %c0_i32_1 = arith.constant 0 : i32
    return %c0_i32, %c0_i32_0 : i32, i32
  }
  func.func @transform_2(%arg0: i32) -> (i32, i32) {
    %c0_i32 = arith.constant 0 : i32
    %c0_i32_0 = arith.constant 0 : i32
    %c0_i32_1 = arith.constant 0 : i32
    return %c0_i32, %c0_i32_0 : i32, i32
  }
  func.func @transform_3(%arg0: i32) -> (i32, i32) {
    %c0_i32 = arith.constant 0 : i32
    %c0_i32_0 = arith.constant 0 : i32
    return %arg0, %c0_i32 : i32, i32
  }
}

module attributes {stable_mosaic.version = 14 : i64} {
  func.func @_dense0_body(%arg0: i32, %arg1: memref<1000x256xf32, #tpu.memory_space<vmem>>, %arg2: memref<1x1000x144xf32, #tpu.memory_space<vmem>>, %arg3: memref<1x1000x144xf32, #tpu.memory_space<vmem>>, %arg4: memref<128x256xf32, #tpu.memory_space<vmem>>, %arg5: memref<256x128xf32, #tpu.memory_space<vmem>>, %arg6: memref<256x128xf32, #tpu.memory_space<vmem>>, %arg7: memref<1x128xf32, #tpu.memory_space<vmem>>, %arg8: memref<1000x128xf32, #tpu.memory_space<vmem>>, %arg9: memref<1000x128xf32, #tpu.memory_space<vmem>>) attributes {dimension_semantics = [#tpu.dimension_semantics<arbitrary>], iteration_bounds = array<i64: 10>, scalar_prefetch = 0 : i64, scratch_operands = 0 : i64, tpu.core_type = #tpu.core_type<tc>, window_params = [{transform_indices = @transform_0, window_bounds = array<i64: 1000, 256>}, {transform_indices = @transform_1, window_bounds = array<i64: 1, 1000, 144>}, {transform_indices = @transform_2, window_bounds = array<i64: 1, 1000, 144>}, {pipeline_mode = #tpu.pipeline_mode<synchronous>, transform_indices = @transform_3, window_bounds = array<i64: 128, 256>}, {pipeline_mode = #tpu.pipeline_mode<synchronous>, transform_indices = @transform_4, window_bounds = array<i64: 256, 128>}, {pipeline_mode = #tpu.pipeline_mode<synchronous>, transform_indices = @transform_5, window_bounds = array<i64: 256, 128>}, {pipeline_mode = #tpu.pipeline_mode<synchronous>, transform_indices = @transform_6, window_bounds = array<i64: 1, 128>}, {transform_indices = @transform_7, window_bounds = array<i64: 1000, 128>}, {transform_indices = @transform_8, window_bounds = array<i64: 1000, 128>}]} {
    %get3A = arith.constant 0 : index
    %get3A_0 = arith.constant 0 : index
    %get3A_1 = arith.constant 0 : index
    %get3A_2 = vector.load %arg2[%get3A, %get3A_0, %get3A_1] : memref<1x1000x144xf32, #tpu.memory_space<vmem>>, vector<1x1000x144xf32>
    %get3A_3 = vector.shape_cast %get3A_2 : vector<1x1000x144xf32> to vector<1000x144xf32>
    %get3A_4 = arith.constant 0 : index
    %get3A_5 = arith.constant 0 : index
    %get3A_6 = arith.constant 0 : index
    %get3A_7 = vector.load %arg3[%get3A_4, %get3A_5, %get3A_6] : memref<1x1000x144xf32, #tpu.memory_space<vmem>>, vector<1x1000x144xf32>
    %get3A_8 = vector.shape_cast %get3A_7 : vector<1x1000x144xf32> to vector<1000x144xf32>
    %slice3A = vector.extract_strided_slice %get3A_3 {offsets = [0, 0], sizes = [1000, 128], strides = [1, 1]} : vector<1000x144xf32> to vector<1000x128xf32>
    %slice3A_9 = vector.extract_strided_slice %get3A_8 {offsets = [0, 0], sizes = [1000, 128], strides = [1, 1]} : vector<1000x144xf32> to vector<1000x128xf32>
    %add3A = arith.addf %slice3A, %slice3A_9 : vector<1000x128xf32>
    %slice3A_10 = vector.extract_strided_slice %get3A_3 {offsets = [0, 128], sizes = [1000, 16], strides = [1, 1]} : vector<1000x144xf32> to vector<1000x16xf32>
    %slice3A_11 = vector.extract_strided_slice %get3A_8 {offsets = [0, 128], sizes = [1000, 16], strides = [1, 1]} : vector<1000x144xf32> to vector<1000x16xf32>
    %add3A_12 = arith.addf %slice3A_10, %slice3A_11 : vector<1000x16xf32>
    %slice3A_13 = vector.extract_strided_slice %add3A_12 {offsets = [0, 0], sizes = [1000, 1], strides = [1, 1]} : vector<1000x16xf32> to vector<1000x1xf32>
    %jit3A = arith.constant 1.000000e+00 : f32
    %max3A = vector.broadcast %jit3A : f32 to vector<1000x1xf32>
    %max3A_14 = arith.maximumf %max3A, %slice3A_13 : vector<1000x1xf32>
    %div3A = arith.constant 1.000000e+00 : f32
    %div3A_15 = vector.broadcast %div3A : f32 to vector<1000x1xf32>
    %div3A_16 = arith.divf %div3A_15, %max3A_14 : vector<1000x1xf32>
    %mul3A = vector.broadcast %div3A_16 : vector<1000x1xf32> to vector<1000x128xf32>
    %mul3A_17 = arith.mulf %add3A, %mul3A : vector<1000x128xf32>
    %get3A_18 = arith.constant 0 : index
    %get3A_19 = arith.constant 0 : index
    %get3A_20 = vector.load %arg1[%get3A_18, %get3A_19] : memref<1000x256xf32, #tpu.memory_space<vmem>>, vector<1000x256xf32>
    %get3A_21 = arith.constant 0 : index
    %get3A_22 = arith.constant 0 : index
    %get3A_23 = vector.load %arg4[%get3A_21, %get3A_22] : memref<128x256xf32, #tpu.memory_space<vmem>>, vector<128x256xf32>
    %dot_general3A = arith.constant dense<0.000000e+00> : vector<1000x256xf32>
    %dot_general3A_24 = tpu.matmul %mul3A_17, %get3A_23, %dot_general3A {dimension_numbers = #tpu.dot_dimension_numbers<[1], [0], [0], [1], [0, 0, 1, 1], [], []>, transpose_lhs_hint = false} : vector<1000x128xf32>, vector<128x256xf32>, vector<1000x256xf32> -> vector<1000x256xf32>
    %add3A_25 = arith.addf %get3A_20, %dot_general3A_24 : vector<1000x256xf32>
    %max3A_26 = arith.constant 0.000000e+00 : f32
    %max3A_27 = vector.broadcast %max3A_26 : f32 to vector<1000x256xf32>
    %max3A_28 = arith.maximumf %add3A_25, %max3A_27 : vector<1000x256xf32>
    %get3A_29 = arith.constant 0 : index
    %get3A_30 = arith.constant 0 : index
    %get3A_31 = vector.load %arg5[%get3A_29, %get3A_30] : memref<256x128xf32, #tpu.memory_space<vmem>>, vector<256x128xf32>
    %dot_general3A_32 = arith.constant dense<0.000000e+00> : vector<1000x128xf32>
    %dot_general3A_33 = tpu.matmul %max3A_28, %get3A_31, %dot_general3A_32 {dimension_numbers = #tpu.dot_dimension_numbers<[1], [0], [0], [1], [0, 0, 1, 1], [], []>, transpose_lhs_hint = false} : vector<1000x256xf32>, vector<256x128xf32>, vector<1000x128xf32> -> vector<1000x128xf32>
    %swap3A = arith.constant 0 : index
    %swap3A_34 = arith.constant 0 : index
    %swap3A_35 = vector.load %arg8[%swap3A, %swap3A_34] : memref<1000x128xf32, #tpu.memory_space<vmem>>, vector<1000x128xf32>
    tpu.vector_store %arg8[%swap3A, %swap3A_34], %dot_general3A_33 {strides = array<i32>} : memref<1000x128xf32, #tpu.memory_space<vmem>>, vector<1000x128xf32>,
    %get3A_36 = arith.constant 0 : index
    %get3A_37 = arith.constant 0 : index
    %get3A_38 = vector.load %arg6[%get3A_36, %get3A_37] : memref<256x128xf32, #tpu.memory_space<vmem>>, vector<256x128xf32>
    %dot_general3A_39 = arith.constant dense<0.000000e+00> : vector<1000x128xf32>
    %dot_general3A_40 = tpu.matmul %max3A_28, %get3A_38, %dot_general3A_39 {dimension_numbers = #tpu.dot_dimension_numbers<[1], [0], [0], [1], [0, 0, 1, 1], [], []>, transpose_lhs_hint = false} : vector<1000x256xf32>, vector<256x128xf32>, vector<1000x128xf32> -> vector<1000x128xf32>
    %get3A_41 = arith.constant 0 : index
    %get3A_42 = arith.constant 0 : index
    %get3A_43 = vector.load %arg7[%get3A_41, %get3A_42] : memref<1x128xf32, #tpu.memory_space<vmem>>, vector<1x128xf32>
    %add3A_44 = vector.broadcast %get3A_43 : vector<1x128xf32> to vector<1000x128xf32>
    %add3A_45 = arith.addf %dot_general3A_40, %add3A_44 : vector<1000x128xf32>
    %swap3A_46 = arith.constant 0 : index
    %swap3A_47 = arith.constant 0 : index
    %swap3A_48 = vector.load %arg9[%swap3A_46, %swap3A_47] : memref<1000x128xf32, #tpu.memory_space<vmem>>, vector<1000x128xf32>
    tpu.vector_store %arg9[%swap3A_46, %swap3A_47], %add3A_45 {strides = array<i32>} : memref<1000x128xf32, #tpu.memory_space<vmem>>, vector<1000x128xf32>,
    return
  }
  func.func @transform_0(%arg0: i32) -> (i32, i32) {
    %c0_i32 = arith.constant 0 : i32
    %c0_i32_0 = arith.constant 0 : i32
    return %arg0, %c0_i32 : i32, i32
  }
  func.func @transform_1(%arg0: i32) -> (i32, i32, i32) {
    %c0_i32 = arith.constant 0 : i32
    %c0_i32_0 = arith.constant 0 : i32
    %c0_i32_1 = arith.constant 0 : i32
    return %c0_i32, %arg0, %c0_i32_0 : i32, i32, i32
  }
  func.func @transform_2(%arg0: i32) -> (i32, i32, i32) {
    %c1_i32 = arith.constant 1 : i32
    %c0_i32 = arith.constant 0 : i32
    %c0_i32_0 = arith.constant 0 : i32
    return %c1_i32, %arg0, %c0_i32 : i32, i32, i32
  }
  func.func @transform_3(%arg0: i32) -> (i32, i32) {
    %c0_i32 = arith.constant 0 : i32
    %c0_i32_0 = arith.constant 0 : i32
    %c0_i32_1 = arith.constant 0 : i32
    return %c0_i32, %c0_i32_0 : i32, i32
  }
  func.func @transform_4(%arg0: i32) -> (i32, i32) {
    %c0_i32 = arith.constant 0 : i32
    %c0_i32_0 = arith.constant 0 : i32
    %c0_i32_1 = arith.constant 0 : i32
    return %c0_i32, %c0_i32_0 : i32, i32
  }
  func.func @transform_5(%arg0: i32) -> (i32, i32) {
    %c0_i32 = arith.constant 0 : i32
    %c0_i32_0 = arith.constant 0 : i32
    %c0_i32_1 = arith.constant 0 : i32
    return %c0_i32, %c0_i32_0 : i32, i32
  }
  func.func @transform_6(%arg0: i32) -> (i32, i32) {
    %c0_i32 = arith.constant 0 : i32
    %c0_i32_0 = arith.constant 0 : i32
    %c0_i32_1 = arith.constant 0 : i32
    return %c0_i32, %c0_i32_0 : i32, i32
  }
  func.func @transform_7(%arg0: i32) -> (i32, i32) {
    %c0_i32 = arith.constant 0 : i32
    %c0_i32_0 = arith.constant 0 : i32
    return %arg0, %c0_i32 : i32, i32
  }
  func.func @transform_8(%arg0: i32) -> (i32, i32) {
    %c0_i32 = arith.constant 0 : i32
    %c0_i32_0 = arith.constant 0 : i32
    return %arg0, %c0_i32 : i32, i32
  }
}

module attributes {stable_mosaic.version = 14 : i64} {
  func.func @_dense1_body(%arg0: i32, %arg1: memref<1000x128xf32, #tpu.memory_space<vmem>>, %arg2: memref<1x1000x128xf32, #tpu.memory_space<vmem>>, %arg3: memref<1x1000x128xf32, #tpu.memory_space<vmem>>, %arg4: memref<1x1000x144xf32, #tpu.memory_space<vmem>>, %arg5: memref<1x1000x144xf32, #tpu.memory_space<vmem>>, %arg6: memref<1000x128xf32, #tpu.memory_space<vmem>>) attributes {dimension_semantics = [#tpu.dimension_semantics<arbitrary>], iteration_bounds = array<i64: 10>, scalar_prefetch = 0 : i64, scratch_operands = 0 : i64, tpu.core_type = #tpu.core_type<tc>, window_params = [{transform_indices = @transform_0, window_bounds = array<i64: 1000, 128>}, {transform_indices = @transform_1, window_bounds = array<i64: 1, 1000, 128>}, {transform_indices = @transform_2, window_bounds = array<i64: 1, 1000, 128>}, {transform_indices = @transform_3, window_bounds = array<i64: 1, 1000, 144>}, {transform_indices = @transform_4, window_bounds = array<i64: 1, 1000, 144>}, {transform_indices = @transform_5, window_bounds = array<i64: 1000, 128>}]} {
    %get3A = arith.constant 0 : index
    %get3A_0 = arith.constant 0 : index
    %get3A_1 = arith.constant 128 : index
    %get3A_2 = vector.load %arg4[%get3A, %get3A_0, %get3A_1] : memref<1x1000x144xf32, #tpu.memory_space<vmem>>, vector<1x1000x1xf32>
    %get3A_3 = vector.shape_cast %get3A_2 : vector<1x1000x1xf32> to vector<1000x1xf32>
    %get3A_4 = arith.constant 0 : index
    %get3A_5 = arith.constant 0 : index
    %get3A_6 = arith.constant 128 : index
    %get3A_7 = vector.load %arg5[%get3A_4, %get3A_5, %get3A_6] : memref<1x1000x144xf32, #tpu.memory_space<vmem>>, vector<1x1000x1xf32>
    %get3A_8 = vector.shape_cast %get3A_7 : vector<1x1000x1xf32> to vector<1000x1xf32>
    %add3A = arith.addf %get3A_3, %get3A_8 : vector<1000x1xf32>
    %jit3A = arith.constant 1.000000e+00 : f32
    %max3A = vector.broadcast %jit3A : f32 to vector<1000x1xf32>
    %max3A_9 = arith.maximumf %max3A, %add3A : vector<1000x1xf32>
    %div3A = arith.constant 1.000000e+00 : f32
    %div3A_10 = vector.broadcast %div3A : f32 to vector<1000x1xf32>
    %div3A_11 = arith.divf %div3A_10, %max3A_9 : vector<1000x1xf32>
    %get3A_12 = arith.constant 0 : index
    %get3A_13 = arith.constant 0 : index
    %get3A_14 = vector.load %arg1[%get3A_12, %get3A_13] : memref<1000x128xf32, #tpu.memory_space<vmem>>, vector<1000x128xf32>
    %get3A_15 = arith.constant 0 : index
    %get3A_16 = arith.constant 0 : index
    %get3A_17 = arith.constant 0 : index
    %get3A_18 = vector.load %arg2[%get3A_15, %get3A_16, %get3A_17] : memref<1x1000x128xf32, #tpu.memory_space<vmem>>, vector<1x1000x128xf32>
    %get3A_19 = vector.shape_cast %get3A_18 : vector<1x1000x128xf32> to vector<1000x128xf32>
    %get3A_20 = arith.constant 0 : index
    %get3A_21 = arith.constant 0 : index
    %get3A_22 = arith.constant 0 : index
    %get3A_23 = vector.load %arg3[%get3A_20, %get3A_21, %get3A_22] : memref<1x1000x128xf32, #tpu.memory_space<vmem>>, vector<1x1000x128xf32>
    %get3A_24 = vector.shape_cast %get3A_23 : vector<1x1000x128xf32> to vector<1000x128xf32>
    %add3A_25 = arith.addf %get3A_19, %get3A_24 : vector<1000x128xf32>
    %mul3A = vector.broadcast %div3A_11 : vector<1000x1xf32> to vector<1000x128xf32>
    %mul3A_26 = arith.mulf %add3A_25, %mul3A : vector<1000x128xf32>
    %add3A_27 = arith.addf %get3A_14, %mul3A_26 : vector<1000x128xf32>
    %swap3A = arith.constant 0 : index
    %swap3A_28 = arith.constant 0 : index
    %swap3A_29 = vector.load %arg6[%swap3A, %swap3A_28] : memref<1000x128xf32, #tpu.memory_space<vmem>>, vector<1000x128xf32>
    tpu.vector_store %arg6[%swap3A, %swap3A_28], %add3A_27 {strides = array<i32>} : memref<1000x128xf32, #tpu.memory_space<vmem>>, vector<1000x128xf32>,
    return
  }
  func.func @transform_0(%arg0: i32) -> (i32, i32) {
    %c0_i32 = arith.constant 0 : i32
    %c0_i32_0 = arith.constant 0 : i32
    return %arg0, %c0_i32 : i32, i32
  }
  func.func @transform_1(%arg0: i32) -> (i32, i32, i32) {
    %c0_i32 = arith.constant 0 : i32
    %c0_i32_0 = arith.constant 0 : i32
    %c0_i32_1 = arith.constant 0 : i32
    return %c0_i32, %arg0, %c0_i32_0 : i32, i32, i32
  }
  func.func @transform_2(%arg0: i32) -> (i32, i32, i32) {
    %c1_i32 = arith.constant 1 : i32
    %c0_i32 = arith.constant 0 : i32
    %c0_i32_0 = arith.constant 0 : i32
    return %c1_i32, %arg0, %c0_i32 : i32, i32, i32
  }
  func.func @transform_3(%arg0: i32) -> (i32, i32, i32) {
    %c0_i32 = arith.constant 0 : i32
    %c0_i32_0 = arith.constant 0 : i32
    %c0_i32_1 = arith.constant 0 : i32
    return %c0_i32, %arg0, %c0_i32_0 : i32, i32, i32
  }
  func.func @transform_4(%arg0: i32) -> (i32, i32, i32) {
    %c1_i32 = arith.constant 1 : i32
    %c0_i32 = arith.constant 0 : i32
    %c0_i32_0 = arith.constant 0 : i32
    return %c1_i32, %arg0, %c0_i32 : i32, i32, i32
  }
  func.func @transform_5(%arg0: i32) -> (i32, i32) {
    %c0_i32 = arith.constant 0 : i32
    %c0_i32_0 = arith.constant 0 : i32
    return %arg0, %c0_i32 : i32, i32
  }
}

</mosaic_0001>

<sc_bundles>
// kernel: kernel.10.cloned.1.call-start
scs
__scs_entry_jumppad:
0x0: {  	(pc) =	sbr.rel $0x88, $3  }
0x1: {  	(tag) =	ssettag $0x0;
	lr =	simm.s32 $0x1  }
0x2: {  	[smem:$0x3F99] =	sst lr;
	_ =	strace $0xD0000000  }
0x3: {  	_ = 	snop  }
0x4: {  	_ = 	snop  }
0x5: {  	_ = 	snop  }
0x6: {  	_ = 	snop  }
0x7: {  	_ = 	snop  }
__scs_overlays_trampoline_lowered:
0x8: {  	[smem:$0x3FA8] =	sst s0  }
0x9: {  	[smem:$0x3FA9] =	sst s1  }
0xa: {  	[smem:$0x3FAA] =	sst s2  }
0xb: {  	[smem:$0x3FAB] =	sst s3  }
0xc: {  	[smem:$0x3FAC] =	sst s4  }
0xd: {  	[smem:$0x3FAD] =	sst s5  }
0xe: {  	[smem:$0x3FAE] =	sst s6  }
0xf: {  	[smem:$0x3FAF] =	sst s7  }
0x10: {  	[smem:$0x3FB0] =	sst s8  }
0x11: {  	[smem:$0x3FB1] =	sst s9;
	s0 =	simm.s32 @!p0 $0x0  }
0x12: {  	s1 =	sld [smem:$0x3F97];
	s0 =	simm.s32 @p0 $0x1  }
0x13: {  	[smem:$0x3FB2] =	sst s0;
	s0 =	simm.s32 @!p1 $0x0  }
0x14: {  	s2 =	sld [smem:$0x3F96];
	s0 =	simm.s32 @p1 $0x1  }
0x15: {  	[smem:$0x3FB3] =	sst s0;
	s0 =	simm.s32 @!p2 $0x0  }
0x16: {  	s3 =	sld [smem:$0x3FDB];
	s0 =	simm.s32 @p2 $0x1  }
0x17: {  	s4 =	simm.s32 $0x1BF5;
	[smem:$0x3FB5] =	sst s0  }
0x18: {  	s0 =	sld [smem:$0x3F98];
	_ =	swait.ge [sflag:s4], $0x0  }
0x19: {  	s7 =	sld [smem:$0x3F99]  }
0x1a: {  	s8 =	sadd.s32 $0xFFFFE003, lr  }
0x1b: {  	s9 =	sadd.s32 $0xFFFFFEF7, lr;
	s5 =	simm.s32 $0xFFFFFFFF;
	p2 =	slt.u32 s8, $0xFFFFF086  }
0x1c: {  	p1 =	slt.u32 s9, $0xF7A;
	s5 =	simm.s32 @!p2 $0x0  }
0x1d: {  	s5 =	simm.s32 @p1 $0x1;
	p0 =	seq.s32 s7, s2  }
0x1e: {  	s7 =	smul.u32 @!p0 $0xF7A, s2;
	p2 =	seq.s32 @!p0 s5, $0x0  }
0x1f: {  	s9 =	smul.u32 $0xF7A, s1;
	s8 =	simm.s32 @!p0 $0x1BF5;
	p2 =	por !p2, p0  }
0x20: {  	[sflag:s8] =	ssyncset.s32 @!p0 $0xFFFFF086;
	s6 =	sadd.s32 @!p0 s3, s7;
	s7 =	simm.s32 @!p0 $0x108  }
0x21: {  	s3 =	sadd.s32 s3, s9;
	s6 =	sadd.s32 @!p0 $0x88, s6;
	s7 =	simm.s32 @p2 $0x1082  }
0x22: {  	[simem:s7], [sflag:s8] =	dma.local @!p0 [hbm:s6], $0xF7A  }
0x23: {  	s9 =	sor.u32 $0xD0000000, s2;
	s6 =	simm.s32 $0x108;
	_ =	swait.ge @!p0 [sflag:s8], $0x0  }
0x24: {  	s3 =	sadd.s32 $0x88, s3;
	s6 =	simm.s32 @!p1 $0x1082;
	[sflag:s4] =	ssyncset.s32 $0xFFFFF086  }
0x25: {  	[simem:s6], [sflag:s4] =	dma.local [hbm:s3], $0xF7A  }
0x26: {  	[smem:$0x3F99] =	sst s1;
	(tag) =	ssettag s2;
	_ =	strace s9  }
0x27: {  	s1 =	sld [smem:$0x3FA9]  }
0x28: {  	s2 =	sld [smem:$0x3FAA]  }
0x29: {  	s4 =	sld [smem:$0x3FAC]  }
0x2a: {  	p0 =	seq.s32 s5, $0x0;
	s5 =	sld [smem:$0x3FAD]  }
0x2b: {  	s6 =	sld [smem:$0x3FAE]  }
0x2c: {  	s7 =	sld [smem:$0x3FAF]  }
0x2d: {  	s3 =	simm.s32 $0x108;
	s8 =	sld [smem:$0x3FB0]  }
0x2e: {  	s3 =	simm.s32 @!p0 $0x1082;
	s9 =	sld [smem:$0x3FB1]  }
0x2f: {  	lr =	sadd.s32 s0, s3;
	s0 =	sld [smem:$0x3FA8]  }
0x30: {  	s3 =	sld [smem:$0x3FAB]  }
0x31: {  	[smem:$0x3FB4] =	sst s10  }
0x32: {  	s10 =	sld [smem:$0x3FB2];
	_ =	sdelay $0x3  }
0x33: {  	p0 =	seq.s32 s10, $0x1;
	s10 =	sld [smem:$0x3FB4];
	_ =	sdelay $0x3  }
0x34: {  	[smem:$0x3FB4] =	sst s10  }
0x35: {  	s10 =	sld [smem:$0x3FB3];
	_ =	sdelay $0x3  }
0x36: {  	p1 =	seq.s32 s10, $0x1;
	s10 =	sld [smem:$0x3FB4];
	_ =	sdelay $0x3  }
0x37: {  	[smem:$0x3FB4] =	sst s10  }
0x38: {  	s10 =	sld [smem:$0x3FB5]  }
0x39: {  	_ = 	snop;
	(pc) =	sbr.ind lr, $3  }
0x3a: {  	_ = 	snop  }
0x3b: {  	_ = 	snop  }
0x3c: {  	p2 =	seq.s32 s10, $0x1;
	s10 =	sld [smem:$0x3FB4]  }
0x3d: {  	_ =	shalt  }
0x3e: {  	_ =	shalt  }
0x3f: {  	_ =	shalt  }
0x40: {  	_ =	shalt  }
0x41: {  	_ =	shalt  }
0x42: {  	_ =	shalt  }
0x43: {  	_ =	shalt  }
0x44: {  	_ =	shalt  }
0x45: {  	_ =	shalt  }
0x46: {  	_ =	shalt  }
0x47: {  	_ =	shalt  }
0x48: {  	_ =	shalt  }
0x49: {  	_ =	shalt  }
0x4a: {  	_ =	shalt  }
0x4b: {  	_ =	shalt  }
0x4c: {  	_ =	shalt  }
0x4d: {  	_ =	shalt  }
0x4e: {  	_ =	shalt  }
0x4f: {  	_ =	shalt  }
0x50: {  	_ =	shalt  }
0x51: {  	_ =	shalt  }
0x52: {  	_ =	shalt  }
0x53: {  	_ =	shalt  }
0x54: {  	_ =	shalt  }
0x55: {  	_ =	shalt  }
0x56: {  	_ =	shalt  }
0x57: {  	_ =	shalt  }
0x58: {  	_ =	shalt  }
0x59: {  	_ =	shalt  }
0x5a: {  	_ =	shalt  }
0x5b: {  	_ =	shalt  }
0x5c: {  	_ =	shalt  }
0x5d: {  	_ =	shalt  }
0x5e: {  	_ =	shalt  }
0x5f: {  	_ =	shalt  }
0x60: {  	_ =	shalt  }
0x61: {  	_ =	shalt  }
0x62: {  	_ =	shalt  }
0x63: {  	_ =	shalt  }
0x64: {  	_ =	shalt  }
0x65: {  	_ =	shalt  }
0x66: {  	_ =	shalt  }
0x67: {  	_ =	shalt  }
0x68: {  	_ =	shalt  }
0x69: {  	_ =	shalt  }
0x6a: {  	_ =	shalt  }
0x6b: {  	_ =	shalt  }
0x6c: {  	_ =	shalt  }
0x6d: {  	_ =	shalt  }
0x6e: {  	_ =	shalt  }
0x6f: {  	_ =	shalt  }
0x70: {  	_ =	shalt  }
0x71: {  	_ =	shalt  }
0x72: {  	_ =	shalt  }
0x73: {  	_ =	shalt  }
0x74: {  	_ =	shalt  }
0x75: {  	_ =	shalt  }
0x76: {  	_ =	shalt  }
0x77: {  	_ =	shalt  }
0x78: {  	_ =	shalt  }
0x79: {  	_ =	shalt  }
0x7a: {  	_ =	shalt  }
0x7b: {  	_ =	shalt  }
0x7c: {  	_ =	shalt  }
0x7d: {  	_ =	shalt  }
0x7e: {  	_ =	shalt  }
0x7f: {  	_ =	shalt  }
0x80: {  	_ =	shalt  }
0x81: {  	_ =	shalt  }
0x82: {  	_ =	shalt  }
0x83: {  	_ =	shalt  }
0x84: {  	_ =	shalt  }
0x85: {  	_ =	shalt  }
0x86: {  	_ =	shalt  }
0x87: {  	_ =	shalt  }
.Lfunc_end0:
.L_simem_size_0:
called_computation.1_lowered:
.L_overlay_start_0:
0x88: {  	s2 =	sld [smem:$0x3FD9]  }
0x89: {  	s3 =	sld [smem:$0x3FFE];
	_ =	sdelay $0x1  }
0x8a: {  	s1 =	srdreg.scid  }
0x8b: {  	s0 =	sand.u32 $0x1, s1  }
0x8c: {  	s17 =	sshll.u32 s0, $0xA;
	s2 =	sadd.s32 s3, s2  }
0x8d: {  	s2 =	sadd.s32 s2, s17  }
0x8e: {  	[smem:$0x3FC0] =	sst s2  }
0x8f: {  	_ = 	snop  }
0x90: {  	s2 =	sld [smem:$0x3FD0];
	(tm) =	ssettm $0x1  }
0x91: {  	s18 =	sld [smem:$0x3FFB];
	_ =	sdelay $0x3  }
0x92: {  	_ =	strace s18  }
0x93: {  	s3 =	sld [smem:$0x3FFC];
	_ =	sdelay $0x3  }
0x94: {  	_ =	strace s3  }
0x95: {  	s3 =	sld [smem:$0x3FFD];
	_ =	sdelay $0x3  }
0x96: {  	_ =	strace s3  }
0x97: {  	_ =	strace $0x8FFFFFFF  }
0x98: {  	s19 =	sld [smem:$0x3FDB];
	_ =	sdelay $0x1  }
0x99: {  	s4 =	simm.s32 $_scs_section_size  }
0x9a: {  	s5 =	simm.s32 $_size__tile_overlayer_lowered;
	s6 =	simm.s32 $_tile_overlayer_lowered  }
0x9b: {  	s22 =	simm.s32 $0x1BFF;
	s21 =	sshll.u32 s6, $0x1;
	s3 =	sadd.s32 s4, s19  }
0x9c: {  	s7 =	simm.s32 $0x0;
	s20 =	sshll.u32 s5, $0x1;
	s5 =	sadd.s32 s21, s3  }
0x9d: {  	[timem:s7], [sflag:s22] =	dma.local [hbm:s5], s20  }
0x9e: {  	_ =	swait.ge [sflag:s22], s20  }
0x9f: {  	s4 =	ssub.s32 $0x0, s20;
	[sflag:s22] =	ssyncset.done $0x0  }
0xa0: {  	[sflag:s22] =	ssyncadd.s32 s4;
	_ =	sdelay $0x1  }
0xa1: {  	s23 =	simm.s32 $0x1B8B  }
0xa2: {  	_ =	swait.ge [sflag:s23], $0x1  }
0xa3: {  	[sflag:s23] =	ssyncset.done $0x0  }
0xa4: {  	s25 =	simm.s32 $0x1B8E;
	s24 =	sld [smem:$0x3FFE];
	[sflag:s23] =	ssyncadd.s32 $0xFFFFFFFF  }
0xa5: {  	s26 =	simm.s32 $execute0_lowered;
	[smem:$0x3FD2] =	sst s25  }
0xa6: {  	s5 =	sshll.u32 s26, $0x1;
	_ =	strace $0x80000049;
	[dreg:$0x1] =	wrdreg $0xFFFFFFFF  }
0xa7: {  	s28 =	simm.s32 $_size_execute0_lowered;
	s3 =	sadd.s32 s3, s5;
	[dreg:$0x0] =	wrdreg $0x0  }
0xa8: {  	s5 =	sshll.u32 s28, $0x1;
	[dreg:$0x2] =	wrdreg s3  }
0xa9: {  	[dreg:$0x3] =	wrdreg s5  }
0xaa: {  	[dreg:$0x4] =	wrdreg $0xC0  }
0xab: {  	_ =	task [dreg:s7], $0x5FFFF  }
0xac: {  	[dreg:$0x1] =	wrdreg $0xFFFFFFFF  }
0xad: {  	[dreg:$0x0] =	wrdreg $0x60  }
0xae: {  	[dreg:$0x2] =	wrdreg s2  }
0xaf: {  	[dreg:$0x3] =	wrdreg s24  }
0xb0: {  	[dreg:$0x4] =	wrdreg $0x0  }
0xb1: {  	[dreg:$0x5] =	wrdreg $0x9  }
0xb2: {  	_ =	task.clear_ibuf [dreg:s7], $0x6FFFF;
	_ =	strace $0x90000049  }
0xb3: {  	s29 =	simm.s32 $0x9;
	_ =	strace $0x8000004B  }
0xb4: {  	_ =	swait.ge [sflag:s29], $0x1  }
0xb5: {  	[sflag:s29] =	ssyncadd.s32 $0xFFFFFFFF  }
0xb6: {  	_ =	strace $0x9000004B  }
0xb7: {  	_ =	sfence  }
0xb8: {  	s30 =	sld [smem:$0x0];
	_ =	sdelay $0x2  }
0xb9: {  	s31 =	sshll.u32 s1, $0xD;
	s1 =	sshrl.u32 s1, $0x2  }
0xba: {  	s3 =	sand.u32 $0x4000, s31;
	s1 =	sadd.s32 s1, s30  }
0xbb: {  	s0 =	sor.u32 s3, s0;
	s1 =	sshll.u32 s1, $0x11  }
0xbc: {  	s0 =	sor.u32 s1, s0  }
0xbd: {  	s0 =	sadd.s32 $0x8F2B, s0  }
0xbe: {  	[sflag:s0] =	ssyncadd.remote.s32 $0x1  }
0xbf: {  	_ =	sfence.sel $0xFFFF  }
0xc0: {  	[dreg:$0x0] =	wrdreg $0xFFFFFFFF;
	(pc) =	sbr.abs _section_cstart, $3  }
0xc1: {  	[dreg:$0x1] =	wrdreg $0xFFFFFFFF  }
0xc2: {  	_ =	task.clear_ibuf [dreg:s7], $0x2FFFF;
	_ =	strace $0x9FFFFFFF  }
0xc3: {  	(tm) =	ssettm $0x7FFFFFFF  }
tec
execute0_lowered:
.L_overlay_start_1:
0x0: {  	(tag) =	ssettag $0x1  }
0x1: {  	s1 =	rddreg [dreg:$0x0]  }
0x2: {  	s0 =	rddreg [dreg:$0x1]  }
0x3: {  	s2 =	rddreg [dreg:$0x2];
	s4 =	simm.s32 $0x0;
	s5 =	srdreg.scid  }
0x4: {  	s3 =	stileid.u32;
	s30 =	simm.s32 $0x3;
	[smem:$0x7FF] =	sst s4  }
0x5: {  	s12 =	sand.u32 $0x1, s5;
	s13 =	smul.u32 $0x280, s3;
	s5 =	sadd.s32 $0xB200, s0  }
0x6: {  	s9 =	smul.u32 $0x50000, s3;
	s6 =	sadd.s32 $0x1400, s0;
	s0 =	sadd.s32 $0x15000, s0  }
0x7: {  	s11 =	sshll.u32 s3, $0x7;
	s23 =	ssub.s32 $0x4E2, s3;
	s10 =	smul.u32 $0x27100, s12  }
0x8: {  	_ =	strace $0x8000004A;
	s7 =	ssub.s32 $0x2, s12;
	s12 =	smul.u32 $0x2800, s12  }
0x9: {  	[dreg:$0x4] =	wrdreg s23;
	s8 =	sshrl.u32 s7, $0x1;
	s25 =	sshrl.u32 s9, $0x2  }
0xa: {  	s15 =	sadd.s32 $0x80, s13;
	s16 =	sadd.s32 $0x100, s13;
	s17 =	sadd.s32 $0x180, s13  }
0xb: {  	s18 =	sadd.s32 $0x200, s13;
	s14 =	ssub.s32 s7, s8;
	s7 =	sadd.s32 s25, s2  }
0xc: {  	s26 =	sshll.u32 s15, $0x7;
	s31 =	sshll.u32 s16, $0x7;
	s19 =	sshll.u32 s17, $0x7  }
0xd: {  	s20 =	sshll.u32 s18, $0x7;
	s22 =	sadd.s32 s11, s10;
	s25 =	ssub.s32 $0x4D2, s3  }
0xe: {  	s13 =	sadd.s32 s13, s12;
	s15 =	sadd.s32 s12, s15;
	s16 =	sadd.s32 s12, s16  }
0xf: {  	s8 =	sadd.s32 s26, s2;
	s21 =	sadd.s32 s31, s2;
	s28 =	sadd.s32 s19, s2  }
0x10: {  	s29 =	sadd.s32 s20, s2;
	s10 =	sshrl.u32 s22, $0x3;
	s20 =	sadd.s32 $0x800, s22  }
0x11: {  	[dreg:$0x5] =	wrdreg s25;
	s13 =	sshll.u32 s13, $0x4;
	s25 =	smax.u32 s14, $0x1  }
0x12: {  	s11 =	sadd.s32 s5, s10;
	s19 =	sadd.s32 s6, s10;
	[dreg:$0xf] =	wrdreg s25  }
0x13: {  	s31 =	sadd.s32 s0, s13;
	s10 =	sshll.u32 s15, $0x4;
	[dreg:$0x6] =	wrdreg s11  }
0x14: {  	s25 =	simm.s32 $0x18200;
	[dreg:$0x7] =	wrdreg s19;
	s19 =	sshrl.u32 s20, $0x3  }
0x15: {  	[dreg:$0xa] =	wrdreg s31;
	s11 =	sshll.u32 s16, $0x4;
	s13 =	sadd.s32 s0, s10  }
0x16: {  	s20 =	sadd.s32 $0x1800, s22;
	s31 =	sadd.s32 $0x1000, s22;
	[dreg:$0xb] =	wrdreg s13  }
0x17: {  	s24 =	sadd.s32 s5, s19;
	s26 =	sadd.s32 s6, s19;
	[dreg:$0x11] =	wrdreg s31  }
0x18: {  	s16 =	sadd.s32 s0, s11;
	s19 =	sadd.s32 s12, s17;
	[dreg:$0x8] =	wrdreg s24  }
0x19: {  	s12 =	sadd.s32 s12, s18;
	[dreg:$0x9] =	wrdreg s26;
	s13 =	sshll.u32 s19, $0x4  }
0x1a: {  	[dreg:$0xc] =	wrdreg s16;
	s12 =	sshll.u32 s12, $0x4;
	s23 =	sadd.s32 s0, s13  }
0x1b: {  	s24 =	sshrl.u32 s20, $0x3;
	s0 =	sadd.s32 s0, s12;
	[dreg:$0xd] =	wrdreg s23  }
0x1c: {  	s14 =	sadd.s32 s24, s6;
	s26 =	sadd.s32 s24, s5;
	[dreg:$0xe] =	wrdreg s0  }
0x1d: {  	v0 =	vimm.f32 $0.0e+00;
	[dreg:$0x10] =	wrdreg s26;
	s26 =	simm.s32 $0x5;
	s0 =	simm.s32 $0x0  }
.LBB2_1:
0x1e: {  	s12 =	simm.s32 $0x0;
	s13 =	simm.s32 $0x200  }
.LBB2_2:
0x1f: {  	p0 =	sne.s32 s13, $0xFE00;
	[tilespmem:s12+$0x18270] =	vst v0  }
0x20: {  	[tilespmem:s12+$0x18200] =	vst v0  }
0x21: {  	[tilespmem:s12+$0x18210] =	vst v0  }
.Ltmp0:
0x22: {  	[tilespmem:s12+$0x18220] =	vst v0;
	(pc) =	sbr.rel @p0 .LBB2_2-.Ltmp0, $4  }
0x23: {  	[tilespmem:s12+$0x18230] =	vst v0  }
0x24: {  	[tilespmem:s12+$0x18240] =	vst v0  }
0x25: {  	[tilespmem:s12+$0x18250] =	vst v0  }
0x26: {  	[tilespmem:s12+$0x18260] =	vst v0;
	s12 =	sshra.s32 s13, $0x2;
	s13 =	sadd.s32 $0x200, s13  }
0x27: {  	[tilespmem:s12+$0x18270] =	vst v0  }
0x28: {  	[tilespmem:s12+$0x18200] =	vst v0  }
0x29: {  	[tilespmem:s12+$0x18210] =	vst v0  }
0x2a: {  	[tilespmem:s12+$0x18220] =	vst v0  }
0x2b: {  	[tilespmem:s12+$0x18230] =	vst v0  }
0x2c: {  	[tilespmem:s12+$0x18240] =	vst v0  }
0x2d: {  	[tilespmem:s12+$0x18250] =	vst v0  }
0x2e: {  	[tilespmem:s12+$0x18260] =	vst v0  }
0x2f: {  	[spmem:s7] =	stream.linear.scatter [tilespmem:s25], [sflag:$0x5], $0x4000, $0x38;
	[tilespmem:$0x1C200] =	vst v63  }
0x30: {  	_ =	swait.ge [sflag:s26], $0x4000  }
0x31: {  	[sflag:s26] =	ssyncset.done $0x0  }
0x32: {  	[sflag:s26] =	ssyncadd.s32 $0xFFFFC000  }
0x33: {  	[spmem:s8] =	stream.linear.scatter [tilespmem:s25], [sflag:$0x5], $0x4000, $0x38;
	[tilespmem:$0x1C200] =	vst v63  }
0x34: {  	_ =	swait.ge [sflag:s26], $0x4000  }
0x35: {  	[sflag:s26] =	ssyncset.done $0x0  }
0x36: {  	[sflag:s26] =	ssyncadd.s32 $0xFFFFC000  }
0x37: {  	[spmem:s21] =	stream.linear.scatter [tilespmem:s25], [sflag:$0x5], $0x4000, $0x38;
	[tilespmem:$0x1C200] =	vst v63  }
0x38: {  	_ =	swait.ge [sflag:s26], $0x4000  }
0x39: {  	[sflag:s26] =	ssyncset.done $0x0  }
0x3a: {  	[sflag:s26] =	ssyncadd.s32 $0xFFFFC000  }
0x3b: {  	[spmem:s28] =	stream.linear.scatter [tilespmem:s25], [sflag:$0x5], $0x4000, $0x38;
	[tilespmem:$0x1C200] =	vst v63  }
0x3c: {  	_ =	swait.ge [sflag:s26], $0x4000  }
0x3d: {  	[sflag:s26] =	ssyncset.done $0x0  }
0x3e: {  	[sflag:s26] =	ssyncadd.s32 $0xFFFFC000  }
0x3f: {  	[spmem:s29] =	stream.linear.scatter [tilespmem:s25], [sflag:$0x5], $0x4000, $0x38;
	[tilespmem:$0x1C200] =	vst v63  }
0x40: {  	_ =	swait.ge [sflag:s26], $0x4000  }
0x41: {  	[sflag:s26] =	ssyncset.done $0x0  }
0x42: {  	[sflag:s26] =	ssyncadd.s32 $0xFFFFC000  }
0x43: {  	[bflag:$0x0] =	sbarrier.arrive $0xFFFF  }
0x44: {  	s12 =	simm.s32 $0x0;
	s20 =	simm.s32 $0x14000;
	s19 =	rddreg [dreg:$0x6]  }
0x45: {  	[tilespmem:s20], [sflag:$0x3] =	stream.linear.gather [hbm4b:s19+s12], $0x80, $0x38;
	[tilespmem:$0x1C200] =	vst v63  }
0x46: {  	s11 =	smov.u32 s21;
	s13 =	simm.s32 $0x14080;
	s21 =	rddreg [dreg:$0x7]  }
0x47: {  	[tilespmem:s13], [sflag:$0x3] =	stream.linear.gather [hbm4b:s21+s12], $0x80, $0x38;
	[tilespmem:$0x1C200] =	vst v63  }
0x48: {  	_ =	swait.ge [sflag:s30], $0x80  }
0x49: {  	[sflag:s30] =	ssyncset.done $0x0  }
0x4a: {  	[sflag:s30] =	ssyncadd.s32 $0xFFFFFF80  }
0x4b: {  	_ =	swait.ge [sflag:s30], $0x80  }
0x4c: {  	s23 =	smov.u32 s28;
	s22 =	simm.s32 $0x80;
	[sflag:s30] =	ssyncset.done $0x0  }
0x4d: {  	s28 =	simm.s32 $0x14200;
	s15 =	rddreg [dreg:$0x8];
	[sflag:s30] =	ssyncadd.s32 $0xFFFFFF80  }
0x4e: {  	[tilespmem:s28], [sflag:$0x1] =	stream.indirect.gather [hbm4b:s1+s22], $0x80, s20, s22, $0xb8;
	[tilespmem:$0x1C200] =	vst v63  }
0x4f: {  	s16 =	simm.s32 $0x14100;
	s17 =	rddreg [dreg:$0x4]  }
0x50: {  	[tilespmem:s16], [sflag:$0x4] =	stream.linear.gather [hbm4b:s15+s12], $0x80, $0x38;
	[tilespmem:$0x1C200] =	vst v63  }
0x51: {  	s19 =	simm.s32 $0x14180;
	s18 =	rddreg [dreg:$0x9];
	p1 =	sle.u32 s17, $0x0  }
0x52: {  	[tilespmem:s19], [sflag:$0x4] =	stream.linear.gather [hbm4b:s18+s12], $0x80, $0x38;
	[tilespmem:$0x1C200] =	vst v63  }
0x53: {  	s12 =	simm.s32 @!p1 $0x1  }
0x54: {  	_ =	swait.ge @!p1 [sflag:s12], $0x4000  }
0x55: {  	s20 =	rddreg [dreg:$0x5]  }
0x56: {  	[sflag:s12] =	ssyncset.done @!p1 $0x0;
	p0 =	sle.u32 s20, $0x0  }
0x57: {  	[sflag:s12] =	ssyncadd.s32 @!p1 $0xFFFFC000;
	s12 =	simm.s32 @!p0 $0x4  }
0x58: {  	_ =	swait.ge @!p0 [sflag:s12], $0x80  }
0x59: {  	[sflag:s12] =	ssyncset.done @!p0 $0x0  }
0x5a: {  	[sflag:s12] =	ssyncadd.s32 @!p0 $0xFFFFFF80  }
0x5b: {  	s24 =	smov.u32 s29;
	s21 =	sadd.s32 $0x0, s3;
	_ =	swait.ge @!p0 [sflag:s12], $0x80  }
0x5c: {  	s22 =	simm.s32 @!p1 $0x14080;
	s17 =	simm.s32 @!p0 $0x18200;
	[sflag:s12] =	ssyncset.done @!p0 $0x0  }
0x5d: {  	s18 =	simm.s32 @!p0 $0x14100;
	[sflag:s12] =	ssyncadd.s32 @!p0 $0xFFFFFF80;
	s12 =	simm.s32 @!p0 $0x80  }
0x5e: {  	[tilespmem:s17], [sflag:$0x2] =	stream.indirect.gather @!p0 [hbm4b:s1+s12], $0x80, s18, s12, $0xb8;
	[tilespmem:$0x1C200] =	vst v63  }
0x5f: {  	s29 =	simm.s32 @!p1 $0x14200;
	s15 =	simm.s32 @!p1 $0x5;
	s18 =	simm.s32 @!p1 $0x80  }
0x60: {  	[spmem:s2] =	stream.indirect.scatter.add.f32 @!p1 [tilespmem:s29], [sflag:$0x5], $0x80, s22, s18, $0xb8;
	[tilespmem:$0x1C200] =	vst v63  }
0x61: {  	s16 =	sadd.s32 $0x20, s21;
	_ =	swait.ge @!p1 [sflag:s15], $0x4000  }
0x62: {  	s10 =	smov.u32 s8;
	p2 =	sgt.u32 s16, $0x4E1;
	s8 =	rddreg [dreg:$0x11]  }
0x63: {  	s18 =	simm.s32 @!p2 $0x14000;
	[sflag:s15] =	ssyncset.done @!p1 $0x0;
	s16 =	sshrl.u32 @!p2 s8, $0x3  }
0x64: {  	s22 =	simm.s32 @!p2 $0x0;
	[sflag:s15] =	ssyncadd.s32 @!p1 $0xFFFFC000;
	s15 =	sadd.s32 @!p2 s5, s16  }
0x65: {  	[tilespmem:s18], [sflag:$0x3] =	stream.linear.gather @!p2 [hbm4b:s15+s22], $0x80, $0x38;
	[tilespmem:$0x1C200] =	vst v63  }
0x66: {  	s29 =	simm.s32 @!p0 $0x2;
	s15 =	sadd.s32 @!p2 s6, s16;
	s16 =	simm.s32 @!p2 $0x14080  }
0x67: {  	[tilespmem:s16], [sflag:$0x3] =	stream.linear.gather @!p2 [hbm4b:s15+s22], $0x80, $0x38;
	[tilespmem:$0x1C200] =	vst v63  }
0x68: {  	_ =	swait.ge @!p0 [sflag:s29], $0x4000  }
0x69: {  	[sflag:s29] =	ssyncset.done @!p0 $0x0  }
0x6a: {  	s15 =	simm.s32 @!p2 $0x3;
	[sflag:s29] =	ssyncadd.s32 @!p0 $0xFFFFC000  }
0x6b: {  	_ =	swait.ge @!p2 [sflag:s15], $0x80  }
0x6c: {  	[sflag:s15] =	ssyncset.done @!p2 $0x0  }
0x6d: {  	[sflag:s15] =	ssyncadd.s32 @!p2 $0xFFFFFF80  }
0x6e: {  	s9 =	smov.u32 s7;
	_ =	swait.ge @!p2 [sflag:s15], $0x80  }
0x6f: {  	s13 =	simm.s32 $0x40;
	s28 =	sadd.s32 $0x30, s21;
	[sflag:s15] =	ssyncset.done @!p2 $0x0  }
0x70: {  	s16 =	simm.s32 @!p2 $0x14200;
	[sflag:s15] =	ssyncadd.s32 @!p2 $0xFFFFFF80;
	s15 =	simm.s32 @!p2 $0x80  }
0x71: {  	[tilespmem:s16], [sflag:$0x1] =	stream.indirect.gather @!p2 [hbm4b:s1+s15], $0x80, s18, s15, $0xb8;
	[tilespmem:$0x1C200] =	vst v63  }
0x72: {  	p3 =	sgt.u32 s28, $0x4E1;
	s15 =	simm.s32 @!p0 $0x14180;
	s16 =	simm.s32 @!p0 $0x5  }
0x73: {  	[spmem:s2] =	stream.indirect.scatter.add.f32 @!p0 [tilespmem:s17], [sflag:$0x5], $0x80, s15, s12, $0xb8;
	[tilespmem:$0x1C200] =	vst v63  }
0x74: {  	s22 =	smov.u32 s14;
	s29 =	sadd.s32 $0x200, s14;
	_ =	swait.ge @!p0 [sflag:s16], $0x4000  }
0x75: {  	s18 =	simm.s32 @!p3 $0x0;
	[sflag:s16] =	ssyncset.done @!p0 $0x0;
	s7 =	rddreg [dreg:$0x10]  }
0x76: {  	s12 =	simm.s32 @!p3 $0x14100;
	s17 =	rddreg [dreg:$0x4];
	[sflag:s16] =	ssyncadd.s32 @!p0 $0xFFFFC000  }
0x77: {  	[tilespmem:s12], [sflag:$0x4] =	stream.linear.gather @!p3 [hbm4b:s7+s18], $0x80, $0x38;
	[tilespmem:$0x1C200] =	vst v63  }
0x78: {  	s16 =	simm.s32 $0x20;
	s31 =	sadd.s32 $0x200, s7;
	s12 =	sadd.s32 $0x1000, s8  }
.LBB2_4:
0x79: {  	p2 =	sge.u32 s16, s17  }
0x7a: {  	s19 =	simm.s32 @!p3 $0x14180;
	s20 =	simm.s32 @!p2 $0x1  }
0x7b: {  	[tilespmem:s19], [sflag:$0x4] =	stream.linear.gather @!p3 [hbm4b:s22+s18], $0x80, $0x38;
	[tilespmem:$0x1C200] =	vst v63  }
0x7c: {  	_ =	swait.ge @!p2 [sflag:s20], $0x4000  }
0x7d: {  	s28 =	rddreg [dreg:$0x5]  }
0x7e: {  	[sflag:s20] =	ssyncset.done @!p2 $0x0;
	p1 =	sge.u32 s16, s28  }
0x7f: {  	[sflag:s20] =	ssyncadd.s32 @!p2 $0xFFFFC000;
	s18 =	simm.s32 @!p1 $0x4  }
0x80: {  	_ =	swait.ge @!p1 [sflag:s18], $0x80  }
0x81: {  	[sflag:s18] =	ssyncset.done @!p1 $0x0  }
0x82: {  	s19 =	simm.s32 @!p2 $0x5;
	[sflag:s18] =	ssyncadd.s32 @!p1 $0xFFFFFF80  }
0x83: {  	s7 =	simm.s32 @!p2 $0x14080;
	s16 =	sadd.s32 s16, s3;
	_ =	swait.ge @!p1 [sflag:s18], $0x80  }
0x84: {  	s20 =	sadd.s32 $0x20, s16;
	s28 =	simm.s32 @!p1 $0x18200;
	[sflag:s18] =	ssyncset.done @!p1 $0x0  }
0x85: {  	s21 =	simm.s32 @!p1 $0x14100;
	[sflag:s18] =	ssyncadd.s32 @!p1 $0xFFFFFF80;
	s18 =	simm.s32 @!p1 $0x80  }
0x86: {  	[tilespmem:s28], [sflag:$0x2] =	stream.indirect.gather @!p1 [hbm4b:s1+s18], $0x80, s21, s18, $0xb8;
	[tilespmem:$0x1C200] =	vst v63  }
0x87: {  	s8 =	simm.s32 @!p2 $0x14200;
	p3 =	sgt.u32 s20, $0x4E1;
	s21 =	simm.s32 @!p2 $0x80  }
0x88: {  	[spmem:s2] =	stream.indirect.scatter.add.f32 @!p2 [tilespmem:s8], [sflag:$0x5], $0x80, s7, s21, $0xb8;
	[tilespmem:$0x1C200] =	vst v63  }
0x89: {  	s20 =	simm.s32 @!p3 $0x14000;
	_ =	swait.ge @!p2 [sflag:s19], $0x4000  }
0x8a: {  	s7 =	sadd.s32 $0x30, s16;
	s8 =	sshrl.u32 @!p3 s12, $0x3;
	[sflag:s19] =	ssyncset.done @!p2 $0x0  }
0x8b: {  	s16 =	sadd.s32 @!p3 s5, s8;
	[sflag:s19] =	ssyncadd.s32 @!p2 $0xFFFFC000;
	s19 =	simm.s32 @!p3 $0x0  }
0x8c: {  	[tilespmem:s20], [sflag:$0x3] =	stream.linear.gather @!p3 [hbm4b:s16+s19], $0x80, $0x38;
	[tilespmem:$0x1C200] =	vst v63  }
0x8d: {  	s21 =	simm.s32 @!p1 $0x2;
	s8 =	sadd.s32 @!p3 s6, s8;
	s16 =	simm.s32 @!p3 $0x14080  }
0x8e: {  	[tilespmem:s16], [sflag:$0x3] =	stream.linear.gather @!p3 [hbm4b:s8+s19], $0x80, $0x38;
	[tilespmem:$0x1C200] =	vst v63  }
0x8f: {  	_ =	swait.ge @!p1 [sflag:s21], $0x4000  }
0x90: {  	[sflag:s21] =	ssyncset.done @!p1 $0x0  }
0x91: {  	s8 =	simm.s32 @!p3 $0x3;
	[sflag:s21] =	ssyncadd.s32 @!p1 $0xFFFFC000  }
0x92: {  	_ =	swait.ge @!p3 [sflag:s8], $0x80  }
0x93: {  	[sflag:s8] =	ssyncset.done @!p3 $0x0  }
0x94: {  	[sflag:s8] =	ssyncadd.s32 @!p3 $0xFFFFFF80  }
0x95: {  	s17 =	smov.u32 s13;
	s13 =	sadd.s32 $0x20, s13;
	_ =	swait.ge @!p3 [sflag:s8], $0x80  }
0x96: {  	s15 =	smov.u32 s31;
	s16 =	smov.u32 s17;
	[sflag:s8] =	ssyncset.done @!p3 $0x0  }
0x97: {  	s17 =	simm.s32 @!p3 $0x14200;
	[sflag:s8] =	ssyncadd.s32 @!p3 $0xFFFFFF80;
	s8 =	simm.s32 @!p3 $0x80  }
0x98: {  	[tilespmem:s17], [sflag:$0x1] =	stream.indirect.gather @!p3 [hbm4b:s1+s8], $0x80, s20, s8, $0xb8;
	[tilespmem:$0x1C200] =	vst v63  }
0x99: {  	s31 =	sadd.s32 $0x200, s31;
	p0 =	sne.s32 s13, $0x500;
	s8 =	simm.s32 @!p1 $0x14180  }
0x9a: {  	[spmem:s2] =	stream.indirect.scatter.add.f32 @!p1 [tilespmem:s28], [sflag:$0x5], $0x80, s8, s18, $0xb8;
	[tilespmem:$0x1C200] =	vst v63  }
.Ltmp1:
0x9b: {  	s22 =	smov.u32 s29;
	s19 =	simm.s32 @!p1 $0x5;
	(pc) =	sbr.rel @p0 .LBB2_4-.Ltmp1, $4  }
0x9c: {  	s29 =	sadd.s32 $0x200, s29;
	p3 =	sgt.u32 s7, $0x4E1;
	_ =	swait.ge @!p1 [sflag:s19], $0x4000  }
0x9d: {  	s12 =	sadd.s32 $0x1000, s12;
	s7 =	simm.s32 @!p3 $0x14100;
	[sflag:s19] =	ssyncset.done @!p1 $0x0  }
0x9e: {  	s18 =	simm.s32 @!p3 $0x0;
	s17 =	rddreg [dreg:$0x4];
	[sflag:s19] =	ssyncadd.s32 @!p1 $0xFFFFC000  }
0x9f: {  	[tilespmem:s7], [sflag:$0x4] =	stream.linear.gather @!p3 [hbm4b:s15+s18], $0x80, $0x38;
	[tilespmem:$0x1C200] =	vst v63  }
0xa0: {  	p1 =	sge.u32 s16, s17  }
0xa1: {  	s7 =	simm.s32 @!p3 $0x14180;
	s8 =	simm.s32 @!p1 $0x1  }
0xa2: {  	[tilespmem:s7], [sflag:$0x4] =	stream.linear.gather @!p3 [hbm4b:s22+s18], $0x80, $0x38;
	[tilespmem:$0x1C200] =	vst v63  }
0xa3: {  	_ =	swait.ge @!p1 [sflag:s8], $0x4000  }
0xa4: {  	s17 =	rddreg [dreg:$0x5]  }
0xa5: {  	[sflag:s8] =	ssyncset.done @!p1 $0x0;
	p0 =	sge.u32 s16, s17  }
0xa6: {  	[sflag:s8] =	ssyncadd.s32 @!p1 $0xFFFFC000;
	s7 =	simm.s32 @!p0 $0x4  }
0xa7: {  	_ =	swait.ge @!p0 [sflag:s7], $0x80  }
0xa8: {  	[sflag:s7] =	ssyncset.done @!p0 $0x0  }
0xa9: {  	[sflag:s7] =	ssyncadd.s32 @!p0 $0xFFFFFF80  }
0xaa: {  	_ =	swait.ge @!p0 [sflag:s7], $0x80  }
0xab: {  	s18 =	sadd.s32 s16, s3;
	s13 =	simm.s32 @!p0 $0x18200;
	[sflag:s7] =	ssyncset.done @!p0 $0x0  }
0xac: {  	s15 =	simm.s32 @!p0 $0x14100;
	[sflag:s7] =	ssyncadd.s32 @!p0 $0xFFFFFF80;
	s7 =	simm.s32 @!p0 $0x80  }
0xad: {  	[tilespmem:s13], [sflag:$0x2] =	stream.indirect.gather @!p0 [hbm4b:s1+s7], $0x80, s15, s7, $0xb8;
	[tilespmem:$0x1C200] =	vst v63  }
0xae: {  	s16 =	simm.s32 @!p1 $0x14080;
	s17 =	simm.s32 @!p1 $0x14200;
	s15 =	simm.s32 @!p1 $0x80  }
0xaf: {  	[spmem:s2] =	stream.indirect.scatter.add.f32 @!p1 [tilespmem:s17], [sflag:$0x5], $0x80, s16, s15, $0xb8;
	[tilespmem:$0x1C200] =	vst v63  }
0xb0: {  	s19 =	sadd.s32 $0x20, s18;
	s15 =	simm.s32 @!p1 $0x5  }
0xb1: {  	p2 =	sgt.u32 s19, $0x4E1;
	_ =	swait.ge @!p1 [sflag:s15], $0x4000  }
0xb2: {  	s12 =	sshrl.u32 @!p2 s12, $0x3;
	s16 =	simm.s32 @!p2 $0x14000;
	[sflag:s15] =	ssyncset.done @!p1 $0x0  }
0xb3: {  	s17 =	simm.s32 @!p2 $0x0;
	[sflag:s15] =	ssyncadd.s32 @!p1 $0xFFFFC000;
	s15 =	sadd.s32 @!p2 s5, s12  }
0xb4: {  	[tilespmem:s16], [sflag:$0x3] =	stream.linear.gather @!p2 [hbm4b:s15+s17], $0x80, $0x38;
	[tilespmem:$0x1C200] =	vst v63  }
0xb5: {  	s12 =	sadd.s32 @!p2 s6, s12;
	s15 =	simm.s32 @!p2 $0x14080  }
0xb6: {  	[tilespmem:s15], [sflag:$0x3] =	stream.linear.gather @!p2 [hbm4b:s12+s17], $0x80, $0x38;
	[tilespmem:$0x1C200] =	vst v63  }
0xb7: {  	s12 =	simm.s32 @!p0 $0x2  }
0xb8: {  	_ =	swait.ge @!p0 [sflag:s12], $0x4000  }
0xb9: {  	[sflag:s12] =	ssyncset.done @!p0 $0x0  }
0xba: {  	[sflag:s12] =	ssyncadd.s32 @!p0 $0xFFFFC000;
	s12 =	simm.s32 @!p2 $0x3  }
0xbb: {  	_ =	swait.ge @!p2 [sflag:s12], $0x80  }
0xbc: {  	[sflag:s12] =	ssyncset.done @!p2 $0x0  }
0xbd: {  	[sflag:s12] =	ssyncadd.s32 @!p2 $0xFFFFFF80  }
0xbe: {  	_ =	swait.ge @!p2 [sflag:s12], $0x80  }
0xbf: {  	[sflag:s12] =	ssyncset.done @!p2 $0x0  }
0xc0: {  	s15 =	simm.s32 @!p2 $0x14200;
	[sflag:s12] =	ssyncadd.s32 @!p2 $0xFFFFFF80;
	s12 =	simm.s32 @!p2 $0x80  }
0xc1: {  	[tilespmem:s15], [sflag:$0x1] =	stream.indirect.gather @!p2 [hbm4b:s1+s12], $0x80, s16, s12, $0xb8;
	[tilespmem:$0x1C200] =	vst v63  }
0xc2: {  	s12 =	simm.s32 @!p0 $0x14180  }
0xc3: {  	[spmem:s2] =	stream.indirect.scatter.add.f32 @!p0 [tilespmem:s13], [sflag:$0x5], $0x80, s12, s7, $0xb8;
	[tilespmem:$0x1C200] =	vst v63  }
0xc4: {  	s7 =	simm.s32 @!p0 $0x5  }
0xc5: {  	s8 =	sadd.s32 $0x30, s18;
	_ =	swait.ge @!p0 [sflag:s7], $0x4000  }
0xc6: {  	p1 =	sgt.u32 s8, $0x4E1;
	[sflag:s7] =	ssyncset.done @!p0 $0x0  }
0xc7: {  	s8 =	simm.s32 @!p1 $0x14100;
	[sflag:s7] =	ssyncadd.s32 @!p0 $0xFFFFC000;
	s7 =	simm.s32 @!p1 $0x0  }
0xc8: {  	[tilespmem:s8], [sflag:$0x4] =	stream.linear.gather @!p1 [hbm4b:s31+s7], $0x80, $0x38;
	[tilespmem:$0x1C200] =	vst v63  }
0xc9: {  	s8 =	simm.s32 @!p1 $0x14180  }
0xca: {  	[tilespmem:s8], [sflag:$0x4] =	stream.linear.gather @!p1 [hbm4b:s29+s7], $0x80, $0x38;
	[tilespmem:$0x1C200] =	vst v63  }
0xcb: {  	[bflag:$0x0] =	sbarrier.arrive $0xFFFF  }
0xcc: {  	[tilespmem:s25], [sflag:$0x5] =	stream.linear.gather [spmem:s9], $0x4000, $0x38;
	[tilespmem:$0x1C200] =	vst v63  }
0xcd: {  	_ =	swait.ge [sflag:s26], $0x4000  }
0xce: {  	[sflag:s26] =	ssyncset.done $0x0  }
0xcf: {  	s20 =	rddreg [dreg:$0xa];
	[sflag:s26] =	ssyncadd.s32 $0xFFFFC000  }
0xd0: {  	[hbm4b:s20+s4] =	stream.linear.scatter [tilespmem:s25], [sflag:$0x5], $0x4000, $0x38;
	[tilespmem:$0x1C200] =	vst v63  }
0xd1: {  	_ =	swait.ge [sflag:s26], $0x4000  }
0xd2: {  	[sflag:s26] =	ssyncset.done $0x0  }
0xd3: {  	[sflag:s26] =	ssyncadd.s32 $0xFFFFC000  }
0xd4: {  	[tilespmem:s25], [sflag:$0x5] =	stream.linear.gather [spmem:s10], $0x4000, $0x38;
	[tilespmem:$0x1C200] =	vst v63  }
0xd5: {  	_ =	swait.ge [sflag:s26], $0x4000  }
0xd6: {  	[sflag:s26] =	ssyncset.done $0x0  }
0xd7: {  	s21 =	rddreg [dreg:$0xb];
	[sflag:s26] =	ssyncadd.s32 $0xFFFFC000  }
0xd8: {  	[hbm4b:s21+s4] =	stream.linear.scatter [tilespmem:s25], [sflag:$0x5], $0x4000, $0x38;
	[tilespmem:$0x1C200] =	vst v63  }
0xd9: {  	_ =	swait.ge [sflag:s26], $0x4000  }
0xda: {  	[sflag:s26] =	ssyncset.done $0x0  }
0xdb: {  	[sflag:s26] =	ssyncadd.s32 $0xFFFFC000  }
0xdc: {  	[tilespmem:s25], [sflag:$0x5] =	stream.linear.gather [spmem:s11], $0x4000, $0x38;
	[tilespmem:$0x1C200] =	vst v63  }
0xdd: {  	_ =	swait.ge [sflag:s26], $0x4000  }
0xde: {  	[sflag:s26] =	ssyncset.done $0x0  }
0xdf: {  	s22 =	rddreg [dreg:$0xc];
	[sflag:s26] =	ssyncadd.s32 $0xFFFFC000  }
0xe0: {  	[hbm4b:s22+s4] =	stream.linear.scatter [tilespmem:s25], [sflag:$0x5], $0x4000, $0x38;
	[tilespmem:$0x1C200] =	vst v63  }
0xe1: {  	_ =	swait.ge [sflag:s26], $0x4000  }
0xe2: {  	[sflag:s26] =	ssyncset.done $0x0  }
0xe3: {  	[sflag:s26] =	ssyncadd.s32 $0xFFFFC000  }
0xe4: {  	[tilespmem:s25], [sflag:$0x5] =	stream.linear.gather [spmem:s23], $0x4000, $0x38;
	[tilespmem:$0x1C200] =	vst v63  }
0xe5: {  	_ =	swait.ge [sflag:s26], $0x4000  }
0xe6: {  	[sflag:s26] =	ssyncset.done $0x0  }
0xe7: {  	s28 =	smov.u32 s23;
	s23 =	rddreg [dreg:$0xd];
	[sflag:s26] =	ssyncadd.s32 $0xFFFFC000  }
0xe8: {  	[hbm4b:s23+s4] =	stream.linear.scatter [tilespmem:s25], [sflag:$0x5], $0x4000, $0x38;
	[tilespmem:$0x1C200] =	vst v63  }
0xe9: {  	_ =	swait.ge [sflag:s26], $0x4000  }
0xea: {  	[sflag:s26] =	ssyncset.done $0x0  }
0xeb: {  	[sflag:s26] =	ssyncadd.s32 $0xFFFFC000  }
0xec: {  	[tilespmem:s25], [sflag:$0x5] =	stream.linear.gather [spmem:s24], $0x4000, $0x38;
	[tilespmem:$0x1C200] =	vst v63  }
0xed: {  	_ =	swait.ge [sflag:s26], $0x4000  }
0xee: {  	[sflag:s26] =	ssyncset.done $0x0  }
0xef: {  	s29 =	smov.u32 s24;
	s24 =	rddreg [dreg:$0xe];
	[sflag:s26] =	ssyncadd.s32 $0xFFFFC000  }
0xf0: {  	[hbm4b:s24+s4] =	stream.linear.scatter [tilespmem:s25], [sflag:$0x5], $0x4000, $0x38;
	[tilespmem:$0x1C200] =	vst v63  }
0xf1: {  	_ =	swait.ge [sflag:s26], $0x4000  }
0xf2: {  	s0 =	sadd.s32 $0x1, s0;
	s31 =	rddreg [dreg:$0xf]  }
0xf3: {  	p0 =	sne.s32 s0, s31  }
.Ltmp2:
0xf4: {  	_ = 	snop;
	(pc) =	sbr.rel @p0 .LBB2_1-.Ltmp2, $3  }
0xf5: {  	_ =	sdelay $0x1  }
0xf6: {  	s7 =	smov.u32 s9;
	[sflag:s26] =	ssyncset.done $0x0  }
0xf7: {  	s8 =	smov.u32 s10;
	s21 =	smov.u32 s11;
	[sflag:s26] =	ssyncadd.s32 $0xFFFFC000  }
0xf8: {  	_ =	sfence.sel $0x180000  }
0xf9: {  	[bflag:$0x0] =	sbarrier.arrive $0xFFFF  }
0xfa: {  	_ =	strace $0x9000004A  }
0xfb: {  	[bflag:$0x2] =	sbarrier.arrive $0xFFFF  }
0xfc: {  	p0 =	sne.s32 s3, $0x0;
	s0 =	rddreg [dreg:$0x3]  }
0xfd: {  	s0 =	sadd.s32 @!p0 $0x100000, s0  }
0xfe: {  	[sflag:s0] =	ssyncadd.tile.s32 @!p0 $0x1;
	_ =	shalt  }
.Lfunc_end2:
_tile_overlayer_lowered:
.L_overlay_start_2:
0xff: {  	(tag) =	ssettag $0x2  }
0x100: {  	s0 =	rddreg [dreg:$0x0];
	s2 =	stileid.u32  }
0x101: {  	s1 =	rddreg [dreg:$0x1];
	p0 =	sne.s32 s2, $0x0  }
0x102: {  	s3 =	rddreg [dreg:$0x2];
	[bflag:$0x3] =	sbarrier.arrive $0xFFFF;
	s2 =	simm.s32 @!p0 $0x1C05  }
0x103: {  	[timem:s3], [sflag:s2] =	dma.local @!p0 [hbm:s0], s1  }
0x104: {  	s0 =	simm.s32 @!p0 $0x5  }
0x105: {  	_ =	swait.ge @!p0 [sflag:s0], s1  }
0x106: {  	s1 =	ssub.s32 @!p0 $0x0, s1;
	[sflag:s0] =	ssyncset.done @!p0 $0x0  }
0x107: {  	[sflag:s0] =	ssyncadd.s32 @!p0 s1  }
0x108: {  	[bflag:$0x3] =	sbarrier.arrive $0xFFFF  }
0x109: {  	_ =	shalt  }

// kernel: kernel.7.cloned.1.call-start
scs
__scs_entry_jumppad:
0x0: {  	(pc) =	sbr.rel $0x88, $3  }
0x1: {  	(tag) =	ssettag $0x0;
	lr =	simm.s32 $0x1  }
0x2: {  	[smem:$0x3F99] =	sst lr;
	_ =	strace $0xD0000000  }
0x3: {  	_ = 	snop  }
0x4: {  	_ = 	snop  }
0x5: {  	_ = 	snop  }
0x6: {  	_ = 	snop  }
0x7: {  	_ = 	snop  }
__scs_overlays_trampoline_lowered:
0x8: {  	[smem:$0x3FA8] =	sst s0  }
0x9: {  	[smem:$0x3FA9] =	sst s1  }
0xa: {  	[smem:$0x3FAA] =	sst s2  }
0xb: {  	[smem:$0x3FAB] =	sst s3  }
0xc: {  	[smem:$0x3FAC] =	sst s4  }
0xd: {  	[smem:$0x3FAD] =	sst s5  }
0xe: {  	[smem:$0x3FAE] =	sst s6  }
0xf: {  	[smem:$0x3FAF] =	sst s7  }
0x10: {  	[smem:$0x3FB0] =	sst s8  }
0x11: {  	[smem:$0x3FB1] =	sst s9;
	s0 =	simm.s32 @!p0 $0x0  }
0x12: {  	s1 =	sld [smem:$0x3F97];
	s0 =	simm.s32 @p0 $0x1  }
0x13: {  	[smem:$0x3FB2] =	sst s0;
	s0 =	simm.s32 @!p1 $0x0  }
0x14: {  	s2 =	sld [smem:$0x3F96];
	s0 =	simm.s32 @p1 $0x1  }
0x15: {  	[smem:$0x3FB3] =	sst s0;
	s0 =	simm.s32 @!p2 $0x0  }
0x16: {  	s3 =	sld [smem:$0x3FDB];
	s0 =	simm.s32 @p2 $0x1  }
0x17: {  	s4 =	simm.s32 $0x1BF5;
	[smem:$0x3FB5] =	sst s0  }
0x18: {  	s0 =	sld [smem:$0x3F98];
	_ =	swait.ge [sflag:s4], $0x0  }
0x19: {  	s7 =	sld [smem:$0x3F99]  }
0x1a: {  	s8 =	sadd.s32 $0xFFFFE003, lr  }
0x1b: {  	s9 =	sadd.s32 $0xFFFFFEF7, lr;
	s5 =	simm.s32 $0xFFFFFFFF;
	p2 =	slt.u32 s8, $0xFFFFF086  }
0x1c: {  	p1 =	slt.u32 s9, $0xF7A;
	s5 =	simm.s32 @!p2 $0x0  }
0x1d: {  	s5 =	simm.s32 @p1 $0x1;
	p0 =	seq.s32 s7, s2  }
0x1e: {  	s7 =	smul.u32 @!p0 $0xF7A, s2;
	p2 =	seq.s32 @!p0 s5, $0x0  }
0x1f: {  	s9 =	smul.u32 $0xF7A, s1;
	s8 =	simm.s32 @!p0 $0x1BF5;
	p2 =	por !p2, p0  }
0x20: {  	[sflag:s8] =	ssyncset.s32 @!p0 $0xFFFFF086;
	s6 =	sadd.s32 @!p0 s3, s7;
	s7 =	simm.s32 @!p0 $0x108  }
0x21: {  	s3 =	sadd.s32 s3, s9;
	s6 =	sadd.s32 @!p0 $0x88, s6;
	s7 =	simm.s32 @p2 $0x1082  }
0x22: {  	[simem:s7], [sflag:s8] =	dma.local @!p0 [hbm:s6], $0xF7A  }
0x23: {  	s9 =	sor.u32 $0xD0000000, s2;
	s6 =	simm.s32 $0x108;
	_ =	swait.ge @!p0 [sflag:s8], $0x0  }
0x24: {  	s3 =	sadd.s32 $0x88, s3;
	s6 =	simm.s32 @!p1 $0x1082;
	[sflag:s4] =	ssyncset.s32 $0xFFFFF086  }
0x25: {  	[simem:s6], [sflag:s4] =	dma.local [hbm:s3], $0xF7A  }
0x26: {  	[smem:$0x3F99] =	sst s1;
	(tag) =	ssettag s2;
	_ =	strace s9  }
0x27: {  	s1 =	sld [smem:$0x3FA9]  }
0x28: {  	s2 =	sld [smem:$0x3FAA]  }
0x29: {  	s4 =	sld [smem:$0x3FAC]  }
0x2a: {  	p0 =	seq.s32 s5, $0x0;
	s5 =	sld [smem:$0x3FAD]  }
0x2b: {  	s6 =	sld [smem:$0x3FAE]  }
0x2c: {  	s7 =	sld [smem:$0x3FAF]  }
0x2d: {  	s3 =	simm.s32 $0x108;
	s8 =	sld [smem:$0x3FB0]  }
0x2e: {  	s3 =	simm.s32 @!p0 $0x1082;
	s9 =	sld [smem:$0x3FB1]  }
0x2f: {  	lr =	sadd.s32 s0, s3;
	s0 =	sld [smem:$0x3FA8]  }
0x30: {  	s3 =	sld [smem:$0x3FAB]  }
0x31: {  	[smem:$0x3FB4] =	sst s10  }
0x32: {  	s10 =	sld [smem:$0x3FB2];
	_ =	sdelay $0x3  }
0x33: {  	p0 =	seq.s32 s10, $0x1;
	s10 =	sld [smem:$0x3FB4];
	_ =	sdelay $0x3  }
0x34: {  	[smem:$0x3FB4] =	sst s10  }
0x35: {  	s10 =	sld [smem:$0x3FB3];
	_ =	sdelay $0x3  }
0x36: {  	p1 =	seq.s32 s10, $0x1;
	s10 =	sld [smem:$0x3FB4];
	_ =	sdelay $0x3  }
0x37: {  	[smem:$0x3FB4] =	sst s10  }
0x38: {  	s10 =	sld [smem:$0x3FB5]  }
0x39: {  	_ = 	snop;
	(pc) =	sbr.ind lr, $3  }
0x3a: {  	_ = 	snop  }
0x3b: {  	_ = 	snop  }
0x3c: {  	p2 =	seq.s32 s10, $0x1;
	s10 =	sld [smem:$0x3FB4]  }
0x3d: {  	_ =	shalt  }
0x3e: {  	_ =	shalt  }
0x3f: {  	_ =	shalt  }
0x40: {  	_ =	shalt  }
0x41: {  	_ =	shalt  }
0x42: {  	_ =	shalt  }
0x43: {  	_ =	shalt  }
0x44: {  	_ =	shalt  }
0x45: {  	_ =	shalt  }
0x46: {  	_ =	shalt  }
0x47: {  	_ =	shalt  }
0x48: {  	_ =	shalt  }
0x49: {  	_ =	shalt  }
0x4a: {  	_ =	shalt  }
0x4b: {  	_ =	shalt  }
0x4c: {  	_ =	shalt  }
0x4d: {  	_ =	shalt  }
0x4e: {  	_ =	shalt  }
0x4f: {  	_ =	shalt  }
0x50: {  	_ =	shalt  }
0x51: {  	_ =	shalt  }
0x52: {  	_ =	shalt  }
0x53: {  	_ =	shalt  }
0x54: {  	_ =	shalt  }
0x55: {  	_ =	shalt  }
0x56: {  	_ =	shalt  }
0x57: {  	_ =	shalt  }
0x58: {  	_ =	shalt  }
0x59: {  	_ =	shalt  }
0x5a: {  	_ =	shalt  }
0x5b: {  	_ =	shalt  }
0x5c: {  	_ =	shalt  }
0x5d: {  	_ =	shalt  }
0x5e: {  	_ =	shalt  }
0x5f: {  	_ =	shalt  }
0x60: {  	_ =	shalt  }
0x61: {  	_ =	shalt  }
0x62: {  	_ =	shalt  }
0x63: {  	_ =	shalt  }
0x64: {  	_ =	shalt  }
0x65: {  	_ =	shalt  }
0x66: {  	_ =	shalt  }
0x67: {  	_ =	shalt  }
0x68: {  	_ =	shalt  }
0x69: {  	_ =	shalt  }
0x6a: {  	_ =	shalt  }
0x6b: {  	_ =	shalt  }
0x6c: {  	_ =	shalt  }
0x6d: {  	_ =	shalt  }
0x6e: {  	_ =	shalt  }
0x6f: {  	_ =	shalt  }
0x70: {  	_ =	shalt  }
0x71: {  	_ =	shalt  }
0x72: {  	_ =	shalt  }
0x73: {  	_ =	shalt  }
0x74: {  	_ =	shalt  }
0x75: {  	_ =	shalt  }
0x76: {  	_ =	shalt  }
0x77: {  	_ =	shalt  }
0x78: {  	_ =	shalt  }
0x79: {  	_ =	shalt  }
0x7a: {  	_ =	shalt  }
0x7b: {  	_ =	shalt  }
0x7c: {  	_ =	shalt  }
0x7d: {  	_ =	shalt  }
0x7e: {  	_ =	shalt  }
0x7f: {  	_ =	shalt  }
0x80: {  	_ =	shalt  }
0x81: {  	_ =	shalt  }
0x82: {  	_ =	shalt  }
0x83: {  	_ =	shalt  }
0x84: {  	_ =	shalt  }
0x85: {  	_ =	shalt  }
0x86: {  	_ =	shalt  }
0x87: {  	_ =	shalt  }
.Lfunc_end0:
.L_simem_size_0:
called_computation_lowered:
.L_overlay_start_0:
0x88: {  	s2 =	sld [smem:$0x3FD9]  }
0x89: {  	s3 =	sld [smem:$0x3FFE];
	_ =	sdelay $0x1  }
0x8a: {  	s1 =	srdreg.scid  }
0x8b: {  	s0 =	sand.u32 $0x1, s1  }
0x8c: {  	s16 =	sshll.u32 s0, $0xA;
	s2 =	sadd.s32 s3, s2  }
0x8d: {  	s2 =	sadd.s32 s2, s16  }
0x8e: {  	[smem:$0x3FC0] =	sst s2  }
0x8f: {  	_ = 	snop  }
0x90: {  	(tm) =	ssettm $0x1  }
0x91: {  	s17 =	sld [smem:$0x3FFB];
	_ =	sdelay $0x3  }
0x92: {  	_ =	strace s17  }
0x93: {  	s2 =	sld [smem:$0x3FFC];
	_ =	sdelay $0x3  }
0x94: {  	_ =	strace s2  }
0x95: {  	s2 =	sld [smem:$0x3FFD];
	_ =	sdelay $0x3  }
0x96: {  	_ =	strace s2  }
0x97: {  	_ =	strace $0x8FFFFFFF  }
0x98: {  	s18 =	sld [smem:$0x3FDB];
	_ =	sdelay $0x1  }
0x99: {  	s19 =	simm.s32 $_scs_section_size  }
0x9a: {  	s4 =	simm.s32 $_size__tile_overlayer_lowered;
	s5 =	simm.s32 $_tile_overlayer_lowered  }
0x9b: {  	s22 =	simm.s32 $0x1BFF;
	s21 =	sshll.u32 s5, $0x1;
	s2 =	sadd.s32 s19, s18  }
0x9c: {  	s6 =	simm.s32 $0x0;
	s20 =	sshll.u32 s4, $0x1;
	s4 =	sadd.s32 s21, s2  }
0x9d: {  	[timem:s6], [sflag:s22] =	dma.local [hbm:s4], s20  }
0x9e: {  	_ =	swait.ge [sflag:s22], s20  }
0x9f: {  	s3 =	ssub.s32 $0x0, s20;
	[sflag:s22] =	ssyncset.done $0x0  }
0xa0: {  	[sflag:s22] =	ssyncadd.s32 s3;
	_ =	sdelay $0x1  }
0xa1: {  	s23 =	simm.s32 $0x1B8B  }
0xa2: {  	_ =	swait.ge [sflag:s23], $0x1  }
0xa3: {  	[sflag:s23] =	ssyncset.done $0x0  }
0xa4: {  	s25 =	simm.s32 $0x1B8E;
	s24 =	sld [smem:$0x3FFE];
	[sflag:s23] =	ssyncadd.s32 $0xFFFFFFFF  }
0xa5: {  	s26 =	simm.s32 $execute0_lowered;
	[smem:$0x3FD2] =	sst s25  }
0xa6: {  	s4 =	sshll.u32 s26, $0x1;
	_ =	strace $0x80000046;
	[dreg:$0x1] =	wrdreg $0xFFFFFFFF  }
0xa7: {  	s28 =	simm.s32 $_size_execute0_lowered;
	s2 =	sadd.s32 s2, s4;
	[dreg:$0x0] =	wrdreg $0x0  }
0xa8: {  	s4 =	sshll.u32 s28, $0x1;
	[dreg:$0x2] =	wrdreg s2  }
0xa9: {  	[dreg:$0x3] =	wrdreg s4  }
0xaa: {  	[dreg:$0x4] =	wrdreg $0xC0  }
0xab: {  	_ =	task [dreg:s6], $0x5FFFF  }
0xac: {  	[dreg:$0x1] =	wrdreg $0xFFFFFFFF  }
0xad: {  	[dreg:$0x0] =	wrdreg $0x60  }
0xae: {  	[dreg:$0x2] =	wrdreg s24  }
0xaf: {  	[dreg:$0x3] =	wrdreg $0x0  }
0xb0: {  	[dreg:$0x4] =	wrdreg $0x9  }
0xb1: {  	_ =	task.clear_ibuf [dreg:s6], $0x5FFFF;
	_ =	strace $0x90000046  }
0xb2: {  	s29 =	simm.s32 $0x9;
	_ =	strace $0x80000048  }
0xb3: {  	_ =	swait.ge [sflag:s29], $0x1  }
0xb4: {  	[sflag:s29] =	ssyncadd.s32 $0xFFFFFFFF  }
0xb5: {  	_ =	strace $0x90000048  }
0xb6: {  	_ =	sfence  }
0xb7: {  	s30 =	sld [smem:$0x0];
	_ =	sdelay $0x2  }
0xb8: {  	s31 =	sshll.u32 s1, $0xD;
	s1 =	sshrl.u32 s1, $0x2  }
0xb9: {  	s3 =	sand.u32 $0x4000, s31;
	s1 =	sadd.s32 s1, s30  }
0xba: {  	s0 =	sor.u32 s3, s0;
	s1 =	sshll.u32 s1, $0x11  }
0xbb: {  	s0 =	sor.u32 s1, s0  }
0xbc: {  	s0 =	sadd.s32 $0x8F2B, s0  }
0xbd: {  	[sflag:s0] =	ssyncadd.remote.s32 $0x1  }
0xbe: {  	_ =	sfence.sel $0xFFFF  }
0xbf: {  	[dreg:$0x0] =	wrdreg $0xFFFFFFFF;
	(pc) =	sbr.abs _section_cstart, $3  }
0xc0: {  	[dreg:$0x1] =	wrdreg $0xFFFFFFFF  }
0xc1: {  	_ =	task.clear_ibuf [dreg:s6], $0x2FFFF;
	_ =	strace $0x9FFFFFFF  }
0xc2: {  	(tm) =	ssettm $0x7FFFFFFF  }
0xc3: {  	_ =	shalt  }
tec
execute0_lowered:
.L_overlay_start_1:
0x0: {  	(tag) =	ssettag $0x1  }
0x1: {  	s0 =	rddreg [dreg:$0x0]  }
0x2: {  	s2 =	rddreg [dreg:$0x1];
	s3 =	simm.s32 $0x0  }
0x3: {  	s1 =	stileid.u32;
	s5 =	srdreg.scid;
	s30 =	simm.s32 $0x3  }
0x4: {  	[smem:$0x7FF] =	sst s3;
	s12 =	smul.u32 $0x280, s1;
	s4 =	sadd.s32 $0x15000, s0  }
0x5: {  	s11 =	sand.u32 $0x1, s5;
	s13 =	smul.u32 $0x5A000, s1;
	s5 =	sadd.s32 $0xB200, s0  }
0x6: {  	s6 =	sadd.s32 $0x1400, s0;
	s0 =	sadd.s32 $0x41000, s0;
	s17 =	sshll.u32 s1, $0x7  }
0x7: {  	_ =	strace $0x80000047;
	s7 =	ssub.s32 $0x2, s11;
	s16 =	smul.u32 $0x27100, s11  }
0x8: {  	s18 =	smul.u32 $0x2800, s11;
	s11 =	ssub.s32 $0x4E2, s1;
	s14 =	sadd.s32 $0x80, s12  }
0x9: {  	s9 =	sshrl.u32 s7, $0x1;
	s26 =	sshrl.u32 s13, $0x2;
	s28 =	sadd.s32 $0x24000, s13  }
0xa: {  	s10 =	sadd.s32 $0x36000, s13;
	s13 =	sadd.s32 $0x48000, s13;
	[dreg:$0x3] =	wrdreg s11  }
0xb: {  	s8 =	smul.u32 $0x240, s14;
	s15 =	ssub.s32 s7, s9;
	s7 =	sadd.s32 s26, s2  }
0xc: {  	s10 =	sshrl.u32 s10, $0x2;
	s17 =	sadd.s32 s17, s16;
	s13 =	sshrl.u32 s13, $0x2  }
0xd: {  	s12 =	sadd.s32 s12, s18;
	s14 =	sadd.s32 s18, s14;
	s18 =	ssub.s32 $0x4D2, s1  }
0xe: {  	s20 =	sadd.s32 s10, s2;
	s16 =	sshrl.u32 s17, $0x3;
	s21 =	sadd.s32 s13, s2  }
0xf: {  	s31 =	sadd.s32 $0x800, s17;
	[dreg:$0x4] =	wrdreg s18;
	s29 =	sadd.s32 s5, s16  }
0x10: {  	s12 =	smul.u32 $0x12, s12;
	s10 =	sadd.s32 s6, s16;
	[dreg:$0x5] =	wrdreg s29  }
0x11: {  	s13 =	sshrl.u32 s31, $0x3;
	s31 =	sadd.s32 $0x1000, s17;
	[dreg:$0x6] =	wrdreg s10  }
0x12: {  	s14 =	smul.u32 $0x12, s14;
	s22 =	sadd.s32 s5, s13;
	[dreg:$0x10] =	wrdreg s31  }
0x13: {  	s9 =	sshrl.u32 s28, $0x2;
	s23 =	sadd.s32 s6, s13;
	[dreg:$0x7] =	wrdreg s22  }
0x14: {  	s24 =	sadd.s32 s0, s12;
	s0 =	sadd.s32 s0, s14;
	[dreg:$0x8] =	wrdreg s23  }
0x15: {  	s19 =	sadd.s32 s9, s2;
	s25 =	sadd.s32 $0x1800, s17;
	[dreg:$0xa] =	wrdreg s0  }
0x16: {  	s8 =	sshrl.u32 s8, $0x2;
	s29 =	smax.u32 s15, $0x1;
	[dreg:$0x9] =	wrdreg s24  }
0x17: {  	s8 =	sadd.s32 s8, s2;
	s26 =	sadd.s32 $0x1200, s24;
	[dreg:$0xe] =	wrdreg s29  }
0x18: {  	s28 =	sadd.s32 $0x1B00, s24;
	s0 =	sshrl.u32 s25, $0x3;
	[dreg:$0xb] =	wrdreg s26  }
0x19: {  	s9 =	sadd.s32 $0x2400, s24;
	s25 =	simm.s32 $0x1B200;
	[dreg:$0xc] =	wrdreg s28  }
0x1a: {  	[dreg:$0xd] =	wrdreg s9;
	s14 =	sadd.s32 s0, s6;
	s0 =	sadd.s32 s0, s5  }
0x1b: {  	v0 =	vimm.f32 $0.0e+00;
	s26 =	simm.s32 $0x5;
	[dreg:$0xf] =	wrdreg s0;
	s0 =	simm.s32 $0x0  }
.LBB2_1:
0x1c: {  	s12 =	simm.s32 $0x0;
	s13 =	simm.s32 $0x240  }
.LBB2_2:
0x1d: {  	p0 =	sne.s32 s13, $0x11DC0;
	[tilespmem:s12+$0x1B280] =	vst v0  }
0x1e: {  	[tilespmem:s12+$0x1B200] =	vst v0  }
0x1f: {  	[tilespmem:s12+$0x1B210] =	vst v0  }
0x20: {  	[tilespmem:s12+$0x1B220] =	vst v0  }
.Ltmp0:
0x21: {  	[tilespmem:s12+$0x1B230] =	vst v0;
	(pc) =	sbr.rel @p0 .LBB2_2-.Ltmp0, $4  }
0x22: {  	[tilespmem:s12+$0x1B240] =	vst v0  }
0x23: {  	[tilespmem:s12+$0x1B250] =	vst v0  }
0x24: {  	[tilespmem:s12+$0x1B260] =	vst v0  }
0x25: {  	[tilespmem:s12+$0x1B270] =	vst v0;
	s12 =	sshra.s32 s13, $0x2;
	s13 =	sadd.s32 $0x240, s13  }
0x26: {  	[tilespmem:s12+$0x1B280] =	vst v0  }
0x27: {  	[tilespmem:s12+$0x1B200] =	vst v0  }
0x28: {  	[tilespmem:s12+$0x1B210] =	vst v0  }
0x29: {  	[tilespmem:s12+$0x1B220] =	vst v0  }
0x2a: {  	[tilespmem:s12+$0x1B230] =	vst v0  }
0x2b: {  	[tilespmem:s12+$0x1B240] =	vst v0  }
0x2c: {  	[tilespmem:s12+$0x1B250] =	vst v0  }
0x2d: {  	[tilespmem:s12+$0x1B260] =	vst v0  }
0x2e: {  	[tilespmem:s12+$0x1B270] =	vst v0  }
0x2f: {  	[spmem:s7] =	stream.linear.scatter [tilespmem:s25], [sflag:$0x5], $0x4800, $0x38;
	[tilespmem:$0x1FA00] =	vst v63  }
0x30: {  	_ =	swait.ge [sflag:s26], $0x4800  }
0x31: {  	[sflag:s26] =	ssyncset.done $0x0  }
0x32: {  	[sflag:s26] =	ssyncadd.s32 $0xFFFFB800  }
0x33: {  	[spmem:s8] =	stream.linear.scatter [tilespmem:s25], [sflag:$0x5], $0x4800, $0x38;
	[tilespmem:$0x1FA00] =	vst v63  }
0x34: {  	_ =	swait.ge [sflag:s26], $0x4800  }
0x35: {  	[sflag:s26] =	ssyncset.done $0x0  }
0x36: {  	[sflag:s26] =	ssyncadd.s32 $0xFFFFB800  }
0x37: {  	[spmem:s19] =	stream.linear.scatter [tilespmem:s25], [sflag:$0x5], $0x4800, $0x38;
	[tilespmem:$0x1FA00] =	vst v63  }
0x38: {  	_ =	swait.ge [sflag:s26], $0x4800  }
0x39: {  	[sflag:s26] =	ssyncset.done $0x0  }
0x3a: {  	[sflag:s26] =	ssyncadd.s32 $0xFFFFB800  }
0x3b: {  	[spmem:s20] =	stream.linear.scatter [tilespmem:s25], [sflag:$0x5], $0x4800, $0x38;
	[tilespmem:$0x1FA00] =	vst v63  }
0x3c: {  	_ =	swait.ge [sflag:s26], $0x4800  }
0x3d: {  	[sflag:s26] =	ssyncset.done $0x0  }
0x3e: {  	[sflag:s26] =	ssyncadd.s32 $0xFFFFB800  }
0x3f: {  	[spmem:s21] =	stream.linear.scatter [tilespmem:s25], [sflag:$0x5], $0x4800, $0x38;
	[tilespmem:$0x1FA00] =	vst v63  }
0x40: {  	_ =	swait.ge [sflag:s26], $0x4800  }
0x41: {  	[sflag:s26] =	ssyncset.done $0x0  }
0x42: {  	[sflag:s26] =	ssyncadd.s32 $0xFFFFB800  }
0x43: {  	s11 =	smov.u32 s19;
	s23 =	smov.u32 s20;
	[bflag:$0x0] =	sbarrier.arrive $0xFFFF  }
0x44: {  	s12 =	simm.s32 $0x0;
	s20 =	simm.s32 $0x16800;
	s19 =	rddreg [dreg:$0x5]  }
0x45: {  	[tilespmem:s20], [sflag:$0x3] =	stream.linear.gather [hbm4b:s19+s12], $0x80, $0x38;
	[tilespmem:$0x1FA00] =	vst v63  }
0x46: {  	s24 =	smov.u32 s21;
	s13 =	simm.s32 $0x16880;
	s21 =	rddreg [dreg:$0x6]  }
0x47: {  	[tilespmem:s13], [sflag:$0x3] =	stream.linear.gather [hbm4b:s21+s12], $0x80, $0x38;
	[tilespmem:$0x1FA00] =	vst v63  }
0x48: {  	_ =	swait.ge [sflag:s30], $0x80  }
0x49: {  	[sflag:s30] =	ssyncset.done $0x0  }
0x4a: {  	[sflag:s30] =	ssyncadd.s32 $0xFFFFFF80  }
0x4b: {  	_ =	swait.ge [sflag:s30], $0x80  }
0x4c: {  	s22 =	simm.s32 $0x80;
	[sflag:s30] =	ssyncset.done $0x0  }
0x4d: {  	s28 =	simm.s32 $0x16A00;
	s15 =	rddreg [dreg:$0x7];
	[sflag:s30] =	ssyncadd.s32 $0xFFFFFF80  }
0x4e: {  	[tilespmem:s28], [sflag:$0x1] =	stream.indirect.gather [hbm4b:s4+s22], $0x90, s20, s22, $0xb8;
	[tilespmem:$0x1FA00] =	vst v63  }
0x4f: {  	s16 =	simm.s32 $0x16900;
	s17 =	rddreg [dreg:$0x3]  }
0x50: {  	[tilespmem:s16], [sflag:$0x4] =	stream.linear.gather [hbm4b:s15+s12], $0x80, $0x38;
	[tilespmem:$0x1FA00] =	vst v63  }
0x51: {  	s19 =	simm.s32 $0x16980;
	s18 =	rddreg [dreg:$0x8];
	p1 =	sle.u32 s17, $0x0  }
0x52: {  	[tilespmem:s19], [sflag:$0x4] =	stream.linear.gather [hbm4b:s18+s12], $0x80, $0x38;
	[tilespmem:$0x1FA00] =	vst v63  }
0x53: {  	s12 =	simm.s32 @!p1 $0x1  }
0x54: {  	_ =	swait.ge @!p1 [sflag:s12], $0x4800  }
0x55: {  	s20 =	rddreg [dreg:$0x4]  }
0x56: {  	[sflag:s12] =	ssyncset.done @!p1 $0x0;
	p0 =	sle.u32 s20, $0x0  }
0x57: {  	[sflag:s12] =	ssyncadd.s32 @!p1 $0xFFFFB800;
	s12 =	simm.s32 @!p0 $0x4  }
0x58: {  	_ =	swait.ge @!p0 [sflag:s12], $0x80  }
0x59: {  	[sflag:s12] =	ssyncset.done @!p0 $0x0  }
0x5a: {  	[sflag:s12] =	ssyncadd.s32 @!p0 $0xFFFFFF80  }
0x5b: {  	s21 =	sadd.s32 $0x0, s1;
	_ =	swait.ge @!p0 [sflag:s12], $0x80  }
0x5c: {  	s22 =	simm.s32 @!p1 $0x16880;
	s18 =	simm.s32 @!p0 $0x1B200;
	[sflag:s12] =	ssyncset.done @!p0 $0x0  }
0x5d: {  	s19 =	simm.s32 @!p0 $0x16900;
	[sflag:s12] =	ssyncadd.s32 @!p0 $0xFFFFFF80;
	s12 =	simm.s32 @!p0 $0x80  }
0x5e: {  	[tilespmem:s18], [sflag:$0x2] =	stream.indirect.gather @!p0 [hbm4b:s4+s12], $0x90, s19, s12, $0xb8;
	[tilespmem:$0x1FA00] =	vst v63  }
0x5f: {  	s29 =	simm.s32 @!p1 $0x16A00;
	s15 =	simm.s32 @!p1 $0x5;
	s19 =	simm.s32 @!p1 $0x80  }
0x60: {  	[spmem:s2] =	stream.indirect.scatter.add.f32 @!p1 [tilespmem:s29], [sflag:$0x5], $0x90, s22, s19, $0xb8;
	[tilespmem:$0x1FA00] =	vst v63  }
0x61: {  	s17 =	sadd.s32 $0x20, s21;
	_ =	swait.ge @!p1 [sflag:s15], $0x4800  }
0x62: {  	s10 =	smov.u32 s8;
	p2 =	sgt.u32 s17, $0x4E1;
	s8 =	rddreg [dreg:$0x10]  }
0x63: {  	s19 =	simm.s32 @!p2 $0x16800;
	[sflag:s15] =	ssyncset.done @!p1 $0x0;
	s17 =	sshrl.u32 @!p2 s8, $0x3  }
0x64: {  	s22 =	simm.s32 @!p2 $0x0;
	[sflag:s15] =	ssyncadd.s32 @!p1 $0xFFFFB800;
	s15 =	sadd.s32 @!p2 s5, s17  }
0x65: {  	[tilespmem:s19], [sflag:$0x3] =	stream.linear.gather @!p2 [hbm4b:s15+s22], $0x80, $0x38;
	[tilespmem:$0x1FA00] =	vst v63  }
0x66: {  	s29 =	simm.s32 @!p0 $0x2;
	s15 =	sadd.s32 @!p2 s6, s17;
	s17 =	simm.s32 @!p2 $0x16880  }
0x67: {  	[tilespmem:s17], [sflag:$0x3] =	stream.linear.gather @!p2 [hbm4b:s15+s22], $0x80, $0x38;
	[tilespmem:$0x1FA00] =	vst v63  }
0x68: {  	_ =	swait.ge @!p0 [sflag:s29], $0x4800  }
0x69: {  	[sflag:s29] =	ssyncset.done @!p0 $0x0  }
0x6a: {  	s15 =	simm.s32 @!p2 $0x3;
	[sflag:s29] =	ssyncadd.s32 @!p0 $0xFFFFB800  }
0x6b: {  	_ =	swait.ge @!p2 [sflag:s15], $0x80  }
0x6c: {  	[sflag:s15] =	ssyncset.done @!p2 $0x0  }
0x6d: {  	[sflag:s15] =	ssyncadd.s32 @!p2 $0xFFFFFF80  }
0x6e: {  	s9 =	smov.u32 s7;
	_ =	swait.ge @!p2 [sflag:s15], $0x80  }
0x6f: {  	s13 =	simm.s32 $0x40;
	s28 =	sadd.s32 $0x30, s21;
	[sflag:s15] =	ssyncset.done @!p2 $0x0  }
0x70: {  	s17 =	simm.s32 @!p2 $0x16A00;
	[sflag:s15] =	ssyncadd.s32 @!p2 $0xFFFFFF80;
	s15 =	simm.s32 @!p2 $0x80  }
0x71: {  	[tilespmem:s17], [sflag:$0x1] =	stream.indirect.gather @!p2 [hbm4b:s4+s15], $0x90, s19, s15, $0xb8;
	[tilespmem:$0x1FA00] =	vst v63  }
0x72: {  	p3 =	sgt.u32 s28, $0x4E1;
	s15 =	simm.s32 @!p0 $0x16980;
	s17 =	simm.s32 @!p0 $0x5  }
0x73: {  	[spmem:s2] =	stream.indirect.scatter.add.f32 @!p0 [tilespmem:s18], [sflag:$0x5], $0x90, s15, s12, $0xb8;
	[tilespmem:$0x1FA00] =	vst v63  }
0x74: {  	s22 =	smov.u32 s14;
	s29 =	sadd.s32 $0x200, s14;
	_ =	swait.ge @!p0 [sflag:s17], $0x4800  }
0x75: {  	s19 =	simm.s32 @!p3 $0x0;
	[sflag:s17] =	ssyncset.done @!p0 $0x0;
	s7 =	rddreg [dreg:$0xf]  }
0x76: {  	s12 =	simm.s32 @!p3 $0x16900;
	s18 =	rddreg [dreg:$0x3];
	[sflag:s17] =	ssyncadd.s32 @!p0 $0xFFFFB800  }
0x77: {  	[tilespmem:s12], [sflag:$0x4] =	stream.linear.gather @!p3 [hbm4b:s7+s19], $0x80, $0x38;
	[tilespmem:$0x1FA00] =	vst v63  }
0x78: {  	s17 =	simm.s32 $0x20;
	s31 =	sadd.s32 $0x200, s7;
	s12 =	sadd.s32 $0x1000, s8  }
.LBB2_4:
0x79: {  	p2 =	sge.u32 s17, s18  }
0x7a: {  	s20 =	simm.s32 @!p3 $0x16980;
	s28 =	simm.s32 @!p2 $0x1  }
0x7b: {  	[tilespmem:s20], [sflag:$0x4] =	stream.linear.gather @!p3 [hbm4b:s22+s19], $0x80, $0x38;
	[tilespmem:$0x1FA00] =	vst v63  }
0x7c: {  	_ =	swait.ge @!p2 [sflag:s28], $0x4800  }
0x7d: {  	s21 =	rddreg [dreg:$0x4]  }
0x7e: {  	[sflag:s28] =	ssyncset.done @!p2 $0x0;
	p1 =	sge.u32 s17, s21  }
0x7f: {  	[sflag:s28] =	ssyncadd.s32 @!p2 $0xFFFFB800;
	s19 =	simm.s32 @!p1 $0x4  }
0x80: {  	_ =	swait.ge @!p1 [sflag:s19], $0x80  }
0x81: {  	[sflag:s19] =	ssyncset.done @!p1 $0x0  }
0x82: {  	[sflag:s19] =	ssyncadd.s32 @!p1 $0xFFFFFF80  }
0x83: {  	s20 =	simm.s32 @!p2 $0x5;
	s7 =	simm.s32 @!p2 $0x16880;
	_ =	swait.ge @!p1 [sflag:s19], $0x80  }
0x84: {  	s17 =	sadd.s32 s17, s1;
	s21 =	simm.s32 @!p1 $0x1B200;
	[sflag:s19] =	ssyncset.done @!p1 $0x0  }
0x85: {  	s16 =	simm.s32 @!p1 $0x16900;
	[sflag:s19] =	ssyncadd.s32 @!p1 $0xFFFFFF80;
	s19 =	simm.s32 @!p1 $0x80  }
0x86: {  	[tilespmem:s21], [sflag:$0x2] =	stream.indirect.gather @!p1 [hbm4b:s4+s19], $0x90, s16, s19, $0xb8;
	[tilespmem:$0x1FA00] =	vst v63  }
0x87: {  	s8 =	simm.s32 @!p2 $0x16A00;
	s28 =	sadd.s32 $0x20, s17;
	s16 =	simm.s32 @!p2 $0x80  }
0x88: {  	[spmem:s2] =	stream.indirect.scatter.add.f32 @!p2 [tilespmem:s8], [sflag:$0x5], $0x90, s7, s16, $0xb8;
	[tilespmem:$0x1FA00] =	vst v63  }
0x89: {  	p3 =	sgt.u32 s28, $0x4E1;
	s7 =	sadd.s32 $0x30, s17;
	_ =	swait.ge @!p2 [sflag:s20], $0x4800  }
0x8a: {  	s8 =	sshrl.u32 @!p3 s12, $0x3;
	s16 =	simm.s32 @!p3 $0x16800;
	[sflag:s20] =	ssyncset.done @!p2 $0x0  }
0x8b: {  	s17 =	sadd.s32 @!p3 s5, s8;
	[sflag:s20] =	ssyncadd.s32 @!p2 $0xFFFFB800;
	s20 =	simm.s32 @!p3 $0x0  }
0x8c: {  	[tilespmem:s16], [sflag:$0x3] =	stream.linear.gather @!p3 [hbm4b:s17+s20], $0x80, $0x38;
	[tilespmem:$0x1FA00] =	vst v63  }
0x8d: {  	s28 =	simm.s32 @!p1 $0x2;
	s8 =	sadd.s32 @!p3 s6, s8;
	s17 =	simm.s32 @!p3 $0x16880  }
0x8e: {  	[tilespmem:s17], [sflag:$0x3] =	stream.linear.gather @!p3 [hbm4b:s8+s20], $0x80, $0x38;
	[tilespmem:$0x1FA00] =	vst v63  }
0x8f: {  	_ =	swait.ge @!p1 [sflag:s28], $0x4800  }
0x90: {  	[sflag:s28] =	ssyncset.done @!p1 $0x0  }
0x91: {  	s8 =	simm.s32 @!p3 $0x3;
	[sflag:s28] =	ssyncadd.s32 @!p1 $0xFFFFB800  }
0x92: {  	_ =	swait.ge @!p3 [sflag:s8], $0x80  }
0x93: {  	[sflag:s8] =	ssyncset.done @!p3 $0x0  }
0x94: {  	[sflag:s8] =	ssyncadd.s32 @!p3 $0xFFFFFF80  }
0x95: {  	s18 =	smov.u32 s13;
	s13 =	sadd.s32 $0x20, s13;
	_ =	swait.ge @!p3 [sflag:s8], $0x80  }
0x96: {  	s15 =	smov.u32 s31;
	s17 =	smov.u32 s18;
	[sflag:s8] =	ssyncset.done @!p3 $0x0  }
0x97: {  	s18 =	simm.s32 @!p3 $0x16A00;
	[sflag:s8] =	ssyncadd.s32 @!p3 $0xFFFFFF80;
	s8 =	simm.s32 @!p3 $0x80  }
0x98: {  	[tilespmem:s18], [sflag:$0x1] =	stream.indirect.gather @!p3 [hbm4b:s4+s8], $0x90, s16, s8, $0xb8;
	[tilespmem:$0x1FA00] =	vst v63  }
0x99: {  	s31 =	sadd.s32 $0x200, s31;
	p0 =	sne.s32 s13, $0x500;
	s8 =	simm.s32 @!p1 $0x16980  }
0x9a: {  	[spmem:s2] =	stream.indirect.scatter.add.f32 @!p1 [tilespmem:s21], [sflag:$0x5], $0x90, s8, s19, $0xb8;
	[tilespmem:$0x1FA00] =	vst v63  }
.Ltmp1:
0x9b: {  	s22 =	smov.u32 s29;
	s16 =	simm.s32 @!p1 $0x5;
	(pc) =	sbr.rel @p0 .LBB2_4-.Ltmp1, $4  }
0x9c: {  	s29 =	sadd.s32 $0x200, s29;
	p3 =	sgt.u32 s7, $0x4E1;
	_ =	swait.ge @!p1 [sflag:s16], $0x4800  }
0x9d: {  	s12 =	sadd.s32 $0x1000, s12;
	s7 =	simm.s32 @!p3 $0x16900;
	[sflag:s16] =	ssyncset.done @!p1 $0x0  }
0x9e: {  	s19 =	simm.s32 @!p3 $0x0;
	s18 =	rddreg [dreg:$0x3];
	[sflag:s16] =	ssyncadd.s32 @!p1 $0xFFFFB800  }
0x9f: {  	[tilespmem:s7], [sflag:$0x4] =	stream.linear.gather @!p3 [hbm4b:s15+s19], $0x80, $0x38;
	[tilespmem:$0x1FA00] =	vst v63  }
0xa0: {  	p1 =	sge.u32 s17, s18  }
0xa1: {  	s7 =	simm.s32 @!p3 $0x16980;
	s8 =	simm.s32 @!p1 $0x1  }
0xa2: {  	[tilespmem:s7], [sflag:$0x4] =	stream.linear.gather @!p3 [hbm4b:s22+s19], $0x80, $0x38;
	[tilespmem:$0x1FA00] =	vst v63  }
0xa3: {  	_ =	swait.ge @!p1 [sflag:s8], $0x4800  }
0xa4: {  	s16 =	rddreg [dreg:$0x4]  }
0xa5: {  	[sflag:s8] =	ssyncset.done @!p1 $0x0;
	p0 =	sge.u32 s17, s16  }
0xa6: {  	[sflag:s8] =	ssyncadd.s32 @!p1 $0xFFFFB800;
	s7 =	simm.s32 @!p0 $0x4  }
0xa7: {  	_ =	swait.ge @!p0 [sflag:s7], $0x80  }
0xa8: {  	[sflag:s7] =	ssyncset.done @!p0 $0x0  }
0xa9: {  	[sflag:s7] =	ssyncadd.s32 @!p0 $0xFFFFFF80  }
0xaa: {  	_ =	swait.ge @!p0 [sflag:s7], $0x80  }
0xab: {  	s18 =	sadd.s32 s17, s1;
	s13 =	simm.s32 @!p0 $0x1B200;
	[sflag:s7] =	ssyncset.done @!p0 $0x0  }
0xac: {  	s15 =	simm.s32 @!p0 $0x16900;
	[sflag:s7] =	ssyncadd.s32 @!p0 $0xFFFFFF80;
	s7 =	simm.s32 @!p0 $0x80  }
0xad: {  	[tilespmem:s13], [sflag:$0x2] =	stream.indirect.gather @!p0 [hbm4b:s4+s7], $0x90, s15, s7, $0xb8;
	[tilespmem:$0x1FA00] =	vst v63  }
0xae: {  	s16 =	simm.s32 @!p1 $0x16880;
	s17 =	simm.s32 @!p1 $0x16A00;
	s15 =	simm.s32 @!p1 $0x80  }
0xaf: {  	[spmem:s2] =	stream.indirect.scatter.add.f32 @!p1 [tilespmem:s17], [sflag:$0x5], $0x90, s16, s15, $0xb8;
	[tilespmem:$0x1FA00] =	vst v63  }
0xb0: {  	s19 =	sadd.s32 $0x20, s18;
	s15 =	simm.s32 @!p1 $0x5  }
0xb1: {  	p2 =	sgt.u32 s19, $0x4E1;
	_ =	swait.ge @!p1 [sflag:s15], $0x4800  }
0xb2: {  	s12 =	sshrl.u32 @!p2 s12, $0x3;
	s16 =	simm.s32 @!p2 $0x16800;
	[sflag:s15] =	ssyncset.done @!p1 $0x0  }
0xb3: {  	s17 =	simm.s32 @!p2 $0x0;
	[sflag:s15] =	ssyncadd.s32 @!p1 $0xFFFFB800;
	s15 =	sadd.s32 @!p2 s5, s12  }
0xb4: {  	[tilespmem:s16], [sflag:$0x3] =	stream.linear.gather @!p2 [hbm4b:s15+s17], $0x80, $0x38;
	[tilespmem:$0x1FA00] =	vst v63  }
0xb5: {  	s12 =	sadd.s32 @!p2 s6, s12;
	s15 =	simm.s32 @!p2 $0x16880  }
0xb6: {  	[tilespmem:s15], [sflag:$0x3] =	stream.linear.gather @!p2 [hbm4b:s12+s17], $0x80, $0x38;
	[tilespmem:$0x1FA00] =	vst v63  }
0xb7: {  	s12 =	simm.s32 @!p0 $0x2  }
0xb8: {  	_ =	swait.ge @!p0 [sflag:s12], $0x4800  }
0xb9: {  	[sflag:s12] =	ssyncset.done @!p0 $0x0  }
0xba: {  	[sflag:s12] =	ssyncadd.s32 @!p0 $0xFFFFB800;
	s12 =	simm.s32 @!p2 $0x3  }
0xbb: {  	_ =	swait.ge @!p2 [sflag:s12], $0x80  }
0xbc: {  	[sflag:s12] =	ssyncset.done @!p2 $0x0  }
0xbd: {  	[sflag:s12] =	ssyncadd.s32 @!p2 $0xFFFFFF80  }
0xbe: {  	_ =	swait.ge @!p2 [sflag:s12], $0x80  }
0xbf: {  	[sflag:s12] =	ssyncset.done @!p2 $0x0  }
0xc0: {  	s15 =	simm.s32 @!p2 $0x16A00;
	[sflag:s12] =	ssyncadd.s32 @!p2 $0xFFFFFF80;
	s12 =	simm.s32 @!p2 $0x80  }
0xc1: {  	[tilespmem:s15], [sflag:$0x1] =	stream.indirect.gather @!p2 [hbm4b:s4+s12], $0x90, s16, s12, $0xb8;
	[tilespmem:$0x1FA00] =	vst v63  }
0xc2: {  	s12 =	simm.s32 @!p0 $0x16980  }
0xc3: {  	[spmem:s2] =	stream.indirect.scatter.add.f32 @!p0 [tilespmem:s13], [sflag:$0x5], $0x90, s12, s7, $0xb8;
	[tilespmem:$0x1FA00] =	vst v63  }
0xc4: {  	s7 =	simm.s32 @!p0 $0x5  }
0xc5: {  	s8 =	sadd.s32 $0x30, s18;
	_ =	swait.ge @!p0 [sflag:s7], $0x4800  }
0xc6: {  	p1 =	sgt.u32 s8, $0x4E1;
	[sflag:s7] =	ssyncset.done @!p0 $0x0  }
0xc7: {  	s8 =	simm.s32 @!p1 $0x16900;
	[sflag:s7] =	ssyncadd.s32 @!p0 $0xFFFFB800;
	s7 =	simm.s32 @!p1 $0x0  }
0xc8: {  	[tilespmem:s8], [sflag:$0x4] =	stream.linear.gather @!p1 [hbm4b:s31+s7], $0x80, $0x38;
	[tilespmem:$0x1FA00] =	vst v63  }
0xc9: {  	s8 =	simm.s32 @!p1 $0x16980  }
0xca: {  	[tilespmem:s8], [sflag:$0x4] =	stream.linear.gather @!p1 [hbm4b:s29+s7], $0x80, $0x38;
	[tilespmem:$0x1FA00] =	vst v63  }
0xcb: {  	[bflag:$0x0] =	sbarrier.arrive $0xFFFF  }
0xcc: {  	[tilespmem:s25], [sflag:$0x5] =	stream.linear.gather [spmem:s9], $0x4800, $0x38;
	[tilespmem:$0x1FA00] =	vst v63  }
0xcd: {  	_ =	swait.ge [sflag:s26], $0x4800  }
0xce: {  	[sflag:s26] =	ssyncset.done $0x0  }
0xcf: {  	s20 =	rddreg [dreg:$0x9];
	[sflag:s26] =	ssyncadd.s32 $0xFFFFB800  }
0xd0: {  	[hbm4b:s20+s3] =	stream.linear.scatter [tilespmem:s25], [sflag:$0x5], $0x4800, $0x38;
	[tilespmem:$0x1FA00] =	vst v63  }
0xd1: {  	_ =	swait.ge [sflag:s26], $0x4800  }
0xd2: {  	[sflag:s26] =	ssyncset.done $0x0  }
0xd3: {  	[sflag:s26] =	ssyncadd.s32 $0xFFFFB800  }
0xd4: {  	[tilespmem:s25], [sflag:$0x5] =	stream.linear.gather [spmem:s10], $0x4800, $0x38;
	[tilespmem:$0x1FA00] =	vst v63  }
0xd5: {  	_ =	swait.ge [sflag:s26], $0x4800  }
0xd6: {  	[sflag:s26] =	ssyncset.done $0x0  }
0xd7: {  	s21 =	rddreg [dreg:$0xa];
	[sflag:s26] =	ssyncadd.s32 $0xFFFFB800  }
0xd8: {  	[hbm4b:s21+s3] =	stream.linear.scatter [tilespmem:s25], [sflag:$0x5], $0x4800, $0x38;
	[tilespmem:$0x1FA00] =	vst v63  }
0xd9: {  	_ =	swait.ge [sflag:s26], $0x4800  }
0xda: {  	[sflag:s26] =	ssyncset.done $0x0  }
0xdb: {  	[sflag:s26] =	ssyncadd.s32 $0xFFFFB800  }
0xdc: {  	[tilespmem:s25], [sflag:$0x5] =	stream.linear.gather [spmem:s11], $0x4800, $0x38;
	[tilespmem:$0x1FA00] =	vst v63  }
0xdd: {  	_ =	swait.ge [sflag:s26], $0x4800  }
0xde: {  	[sflag:s26] =	ssyncset.done $0x0  }
0xdf: {  	s22 =	rddreg [dreg:$0xb];
	[sflag:s26] =	ssyncadd.s32 $0xFFFFB800  }
0xe0: {  	[hbm4b:s22+s3] =	stream.linear.scatter [tilespmem:s25], [sflag:$0x5], $0x4800, $0x38;
	[tilespmem:$0x1FA00] =	vst v63  }
0xe1: {  	_ =	swait.ge [sflag:s26], $0x4800  }
0xe2: {  	[sflag:s26] =	ssyncset.done $0x0  }
0xe3: {  	[sflag:s26] =	ssyncadd.s32 $0xFFFFB800  }
0xe4: {  	[tilespmem:s25], [sflag:$0x5] =	stream.linear.gather [spmem:s23], $0x4800, $0x38;
	[tilespmem:$0x1FA00] =	vst v63  }
0xe5: {  	_ =	swait.ge [sflag:s26], $0x4800  }
0xe6: {  	[sflag:s26] =	ssyncset.done $0x0  }
0xe7: {  	s28 =	rddreg [dreg:$0xc];
	[sflag:s26] =	ssyncadd.s32 $0xFFFFB800  }
0xe8: {  	[hbm4b:s28+s3] =	stream.linear.scatter [tilespmem:s25], [sflag:$0x5], $0x4800, $0x38;
	[tilespmem:$0x1FA00] =	vst v63  }
0xe9: {  	_ =	swait.ge [sflag:s26], $0x4800  }
0xea: {  	[sflag:s26] =	ssyncset.done $0x0  }
0xeb: {  	[sflag:s26] =	ssyncadd.s32 $0xFFFFB800  }
0xec: {  	[tilespmem:s25], [sflag:$0x5] =	stream.linear.gather [spmem:s24], $0x4800, $0x38;
	[tilespmem:$0x1FA00] =	vst v63  }
0xed: {  	_ =	swait.ge [sflag:s26], $0x4800  }
0xee: {  	[sflag:s26] =	ssyncset.done $0x0  }
0xef: {  	s29 =	rddreg [dreg:$0xd];
	[sflag:s26] =	ssyncadd.s32 $0xFFFFB800  }
0xf0: {  	[hbm4b:s29+s3] =	stream.linear.scatter [tilespmem:s25], [sflag:$0x5], $0x4800, $0x38;
	[tilespmem:$0x1FA00] =	vst v63  }
0xf1: {  	_ =	swait.ge [sflag:s26], $0x4800  }
0xf2: {  	s0 =	sadd.s32 $0x1, s0;
	s31 =	rddreg [dreg:$0xe]  }
0xf3: {  	p0 =	sne.s32 s0, s31  }
.Ltmp2:
0xf4: {  	_ = 	snop;
	(pc) =	sbr.rel @p0 .LBB2_1-.Ltmp2, $4  }
0xf5: {  	_ = 	snop  }
0xf6: {  	s19 =	smov.u32 s11  }
0xf7: {  	s7 =	smov.u32 s9;
	s8 =	smov.u32 s10;
	[sflag:s26] =	ssyncset.done $0x0  }
0xf8: {  	s20 =	smov.u32 s23;
	s21 =	smov.u32 s24;
	[sflag:s26] =	ssyncadd.s32 $0xFFFFB800  }
0xf9: {  	_ =	sfence.sel $0x180000  }
0xfa: {  	[bflag:$0x0] =	sbarrier.arrive $0xFFFF  }
0xfb: {  	_ =	strace $0x90000047  }
0xfc: {  	[bflag:$0x2] =	sbarrier.arrive $0xFFFF  }
0xfd: {  	p0 =	sne.s32 s1, $0x0;
	s0 =	rddreg [dreg:$0x2]  }
0xfe: {  	s0 =	sadd.s32 @!p0 $0x100000, s0  }
0xff: {  	[sflag:s0] =	ssyncadd.tile.s32 @!p0 $0x1;
	_ =	shalt  }
.Lfunc_end2:
_tile_overlayer_lowered:
.L_overlay_start_2:
0x100: {  	(tag) =	ssettag $0x2  }
0x101: {  	s0 =	rddreg [dreg:$0x0];
	s2 =	stileid.u32  }
0x102: {  	s1 =	rddreg [dreg:$0x1];
	p0 =	sne.s32 s2, $0x0  }
0x103: {  	s3 =	rddreg [dreg:$0x2];
	[bflag:$0x3] =	sbarrier.arrive $0xFFFF;
	s2 =	simm.s32 @!p0 $0x1C05  }
0x104: {  	[timem:s3], [sflag:s2] =	dma.local @!p0 [hbm:s0], s1  }
0x105: {  	s0 =	simm.s32 @!p0 $0x5  }
0x106: {  	_ =	swait.ge @!p0 [sflag:s0], s1  }
0x107: {  	s1 =	ssub.s32 @!p0 $0x0, s1;
	[sflag:s0] =	ssyncset.done @!p0 $0x0  }
0x108: {  	[sflag:s0] =	ssyncadd.s32 @!p0 s1  }
0x109: {  	[bflag:$0x3] =	sbarrier.arrive $0xFFFF  }
0x10a: {  	_ =	shalt  }

</sc_bundles>
